<compile_context>
chip_gen: v7x
topology: tpu7x:2x2x1
jax: 0.10.2.dev20260603
libtpu: 0.0.44.dev20260713+nightly
codegen_flags: <defaults>
</compile_context>

<pallas_src>
import functools

import jax
import jax.numpy as jnp
from jax import lax
from jax.experimental import pallas as pl
from jax.experimental.pallas import tpu as pltpu
from jax.experimental.pallas import tpu_sc as plsc

B = 8
N = 8192
G = 512
K = 32
D = 128
GB = 128


def _knn_body(xyzT_ref, c_ref, out_ref):
    b = pl.program_id(0)
    x = xyzT_ref[0]
    x0 = x[0:1, :]
    x1 = x[1:2, :]
    x2 = x[2:3, :]
    c = c_ref[0]
    c0 = c[:, 0:1]
    c1 = c[:, 1:2]
    c2 = c[:, 2:3]
    c0b = c0.astype(jnp.bfloat16).astype(jnp.float32)
    c1b = c1.astype(jnp.bfloat16).astype(jnp.float32)
    c2b = c2.astype(jnp.bfloat16).astype(jnp.float32)
    x0b = x0.astype(jnp.bfloat16).astype(jnp.float32)
    x1b = x1.astype(jnp.bfloat16).astype(jnp.float32)
    x2b = x2.astype(jnp.bfloat16).astype(jnp.float32)
    m = (c0b * x0b + c1b * x1b) + c2b * x2b
    sqc = (c0 * c0 + c1 * c1) + c2 * c2
    sqx = (x0 * x0 + x1 * x1) + x2 * x2
    d = ((-2.0 * m) + sqc) + sqx
    iota = lax.broadcasted_iota(jnp.int32, (GB, N), 1)
    cols = []
    for _ in range(K):
        mn = jnp.min(d, axis=1, keepdims=True)
        am = jnp.min(jnp.where(d == mn, iota, N), axis=1, keepdims=True)
        cols.append(am)
        d = jnp.where(iota == am, jnp.float32(jnp.inf), d)
    out_ref[0] = jnp.concatenate(cols, axis=1) + b * N


def _knn_topk(xyzT, center, nb):
    return pl.pallas_call(
        _knn_body,
        grid=(nb, G // GB),
        in_specs=[
            pl.BlockSpec((1, 3, N), lambda b, g: (b, 0, 0)),
            pl.BlockSpec((1, GB, 3), lambda b, g: (b, g, 0)),
        ],
        out_specs=pl.BlockSpec((1, GB, K), lambda b, g: (b, g, 0)),
        out_shape=jax.ShapeDtypeStruct((nb, G, K), jnp.int32),
    )(xyzT, center)


NW = 32
C = 128


def _sc_gather(idx_flat, idx3, emb_flat, xyz_cols):
    nr = idx_flat.shape[0]
    n3 = idx3.shape[0]
    rpw = nr // NW
    epw = n3 // NW
    mesh = plsc.VectorSubcoreMesh(core_axis_name="c", subcore_axis_name="s")

    @functools.partial(
        pl.kernel,
        mesh=mesh,
        out_type=(
            jax.ShapeDtypeStruct((nr, D), jnp.float32),
            jax.ShapeDtypeStruct((n3,), jnp.float32),
        ),
        scratch_types=[
            pltpu.VMEM((C,), jnp.int32),
            pltpu.VMEM((C, D), jnp.float32),
            pltpu.VMEM((C,), jnp.float32),
            pltpu.SemaphoreType.DMA,
        ],
    )
    def gk(idx_hbm, idx3_hbm, emb_hbm, xyz_hbm, eout, xout, idx_v, er_v, xr_v, s1):
        wid = lax.axis_index("s") * 2 + lax.axis_index("c")

        def ebody(t, carry):
            base = wid * rpw + t * C
            pltpu.sync_copy(idx_hbm.at[pl.ds(base, C)], idx_v)
            pltpu.async_copy(emb_hbm.at[idx_v], er_v, s1).wait()
            pltpu.sync_copy(er_v, eout.at[pl.ds(base, C)])
            return carry

        lax.fori_loop(0, rpw // C, ebody, 0)

        def xbody(t, carry):
            base = wid * epw + t * C
            pltpu.sync_copy(idx3_hbm.at[pl.ds(base, C)], idx_v)
            pltpu.async_copy(xyz_hbm.at[idx_v], xr_v, s1).wait()
            pltpu.sync_copy(xr_v, xout.at[pl.ds(base, C)])
            return carry

        lax.fori_loop(0, epw // C, xbody, 0)

    return gk(idx_flat, idx3, emb_flat, xyz_cols)


BC = 2
NB = B // BC


def kernel(xyz, emb):
    perm = jax.random.permutation(jax.random.key(42), N)[:G]
    center = jnp.take(xyz, perm, axis=1)
    xyzT = jnp.transpose(xyz, (0, 2, 1))
    emb_flat = emb.reshape(B * N, D)
    xyz_cols = jnp.transpose(xyz.reshape(B * N, 3)).reshape(-1)
    embs, nbs = [], []
    for cki in range(BC):
        b0 = cki * NB
        fi = _knn_topk(xyzT[b0:b0 + NB], center[b0:b0 + NB], NB).reshape(-1)
        fi = fi + b0 * N
        idx3 = jnp.concatenate([fi, fi + B * N, fi + 2 * B * N])
        eg, xg = _sc_gather(fi, idx3, emb_flat, xyz_cols)
        embs.append(eg.reshape(NB, G, K, D))
        nbs.append(jnp.moveaxis(xg.reshape(3, NB, G, K), 0, -1))
    emb_g = jnp.concatenate(embs, axis=0)
    neighborhood = jnp.concatenate(nbs, axis=0) - center[:, :, None, :]
    return (neighborhood, center, emb_g)

# --- scband reference (transcript-rebuilt; emitter-appended) ---
"""Pipeline reference for scband-group-84567906058595 (READ-ONLY COPY).

The authoritative reference and input builder live on the scoring server;
editing this copy changes nothing except your own understanding.
"""

import jax, jax.numpy as jnp
import numpy as np

NUM_GROUP = 512
GROUP_SIZE = 32


def setup_inputs(seed: int = 0) -> dict:
    key = jax.random.key(seed)
    k1, k2 = jax.random.split(key)
    xyz = jax.random.normal(k1, (8, 8192, 3), dtype=jnp.float32)
    emb = jax.random.normal(k2, (8, 8192, 128), dtype=jnp.float32)
    return {"xyz": xyz, "emb": emb}


def square_distance(src, dst):
    # src: [B, N, C], dst: [B, M, C] -> [B, N, M]
    dist = -2.0 * jnp.matmul(src, dst.transpose(0, 2, 1))
    dist = dist + jnp.sum(src ** 2, axis=-1)[:, :, None]
    dist = dist + jnp.sum(dst ** 2, axis=-1)[:, None, :]
    return dist


def knn_point(nsample, xyz, new_xyz):
    sqrdists = square_distance(new_xyz, xyz)  # [B, S, N]
    # torch.topk(largest=False) == smallest distances -> top_k of negated dists
    _, group_idx = jax.lax.top_k(-sqrdists, nsample)
    return group_idx  # [B, S, nsample]


def reference(xyz, emb):
    B, N, _ = xyz.shape
    # rps: random permutation sampling (same permutation across batch, as in torch.randperm)
    perm = jax.random.permutation(jax.random.key(42), N)[:NUM_GROUP]
    center = jnp.take(xyz, perm, axis=1)  # [B, G, 3]
    idx = knn_point(GROUP_SIZE, xyz, center)  # [B, G, k]
    idx_base = jnp.arange(B).reshape(-1, 1, 1) * N
    flat_idx = (idx + idx_base).reshape(-1)
    neighborhood = jnp.take(xyz.reshape(B * N, -1), flat_idx, axis=0)
    neighborhood = neighborhood.reshape(B, NUM_GROUP, GROUP_SIZE, 3)
    emb_g = jnp.take(emb.reshape(B * N, -1), flat_idx, axis=0)
    emb_g = emb_g.reshape(B, NUM_GROUP, GROUP_SIZE, 128)
    # normalize=True default
    neighborhood = neighborhood - center[:, :, None, :]
    return (neighborhood, center, emb_g)

if __name__ == "__main__":
    import jax
    _d = setup_inputs()
    print(jax.jit(kernel)(*tuple(_d.values())))

</pallas_src>

<mosaic_0001>
#map = affine_map<(d0, d1) -> (0)>
#map1 = affine_map<(d0, d1) -> (0, 0)>
module attributes {stable_mosaic.version = 14 : i64} {
  func.func @gk(%arg0: i32, %arg1: i32, %arg2: memref<65536xi32, #tpu.memory_space<hbm>>, %arg3: memref<196608xi32, #tpu.memory_space<hbm>>, %arg4: memref<65536x128xf32, #tpu.memory_space<hbm>>, %arg5: memref<196608xf32, #tpu.memory_space<hbm>>, %arg6: memref<65536x128xf32, #tpu.memory_space<hbm>>, %arg7: memref<196608xf32, #tpu.memory_space<hbm>>, %arg8: memref<128xi32, #tpu.memory_space<vmem>>, %arg9: memref<128x128xf32, #tpu.memory_space<vmem>>, %arg10: memref<128xf32, #tpu.memory_space<vmem>>, %arg11: memref<!tpu.dma_semaphore, #tpu.memory_space<semaphore_mem>>) attributes {dimension_semantics = [#tpu.dimension_semantics<core_parallel>, #tpu.dimension_semantics<subcore_parallel>], iteration_bounds = array<i64: 2, 16>, scalar_prefetch = 0 : i64, scratch_operands = 4 : i64, tpu.core_type = #tpu.core_type<sc_vector_subcore>, window_params = [{transform_indices = #map}, {transform_indices = #map}, {transform_indices = #map1}, {transform_indices = #map}, {transform_indices = #map1}, {transform_indices = #map}]} {
    %mul3A = arith.constant 2 : i32
    %mul3A_0 = arith.muli %arg1, %mul3A : i32
    %add3A = arith.addi %mul3A_0, %arg0 : i32
    %scan3A = arith.constant 0 : i32
    %scan3A_1 = arith.constant 0 : i32
    %scan3A_2 = arith.constant 16 : i32
    %scan3A_3 = arith.addi %scan3A_1, %scan3A_2 : i32
    %scan3A_4 = arith.constant 1 : i32
    scf.for %scan3A_12 = %scan3A_1 to %scan3A_3 step %scan3A_4  : i32 {
      %mul3A_13 = arith.constant 2048 : i32
      %mul3A_14 = arith.muli %add3A, %mul3A_13 : i32
      %mul3A_15 = arith.constant 128 : i32
      %mul3A_16 = arith.muli %scan3A_12, %mul3A_15 : i32
      %add3A_17 = arith.addi %mul3A_14, %mul3A_16 : i32
      "tpu.region"() ({
        %run_scoped3A = tpu.sem_alloc : memref<!tpu.dma_semaphore, #tpu.memory_space<semaphore_mem>>
        %dma_start3A_22 = tpu.memref_slice %arg2[%add3A_17] : memref<65536xi32, #tpu.memory_space<hbm>> -> memref<128xi32, #tpu.memory_space<hbm>>
        %dma_start3A_23 = tpu.memref_slice %arg2[%add3A_17] : memref<65536xi32, #tpu.memory_space<hbm>> -> memref<128xi32, #tpu.memory_space<hbm>>
        tpu.enqueue_dma source(%dma_start3A_23 : memref<128xi32, #tpu.memory_space<hbm>>) target(%arg8 : memref<128xi32, #tpu.memory_space<vmem>>) target_semaphore(%run_scoped3A : memref<!tpu.dma_semaphore, #tpu.memory_space<semaphore_mem>>)
        %dma_wait3A_24 = tpu.memref_slice %arg2[%add3A_17] : memref<65536xi32, #tpu.memory_space<hbm>> -> memref<128xi32, #tpu.memory_space<hbm>>
        %dma_wait3A_25 = tpu.memref_slice %arg2[%add3A_17] : memref<65536xi32, #tpu.memory_space<hbm>> -> memref<128xi32, #tpu.memory_space<hbm>>
        tpu.wait_dma2 semaphore(%run_scoped3A : memref<!tpu.dma_semaphore, #tpu.memory_space<semaphore_mem>>) src(%dma_wait3A_25 : memref<128xi32, #tpu.memory_space<hbm>>) dst(%arg8 : memref<128xi32, #tpu.memory_space<vmem>>)
        tpu.yield
      }) : () -> ()
      %dma_start3A = arith.constant 0 : i32
      %dma_start3A_18 = arith.constant 0 : i32
      %dma_start3A_19 = tpu.memref_slice %arg4[%dma_start3A, %dma_start3A_18] : memref<65536x128xf32, #tpu.memory_space<hbm>> -> memref<65536x128xf32, #tpu.memory_space<hbm>>
      tpu.enqueue_indirect_dma source(%dma_start3A_19 : memref<65536x128xf32, #tpu.memory_space<hbm>>) target(%arg9 : memref<128x128xf32, #tpu.memory_space<vmem>>) offsets(%arg8 : memref<128xi32, #tpu.memory_space<vmem>>) semaphore(%arg11 : memref<!tpu.dma_semaphore, #tpu.memory_space<semaphore_mem>>)
      %dma_wait3A = arith.constant 0 : i32
      %dma_wait3A_20 = arith.constant 0 : i32
      %dma_wait3A_21 = tpu.memref_slice %arg4[%dma_wait3A, %dma_wait3A_20] : memref<65536x128xf32, #tpu.memory_space<hbm>> -> memref<65536x128xf32, #tpu.memory_space<hbm>>
      tpu.wait_indirect_dma semaphore(%arg11 : memref<!tpu.dma_semaphore, #tpu.memory_space<semaphore_mem>>) src(%dma_wait3A_21 : memref<65536x128xf32, #tpu.memory_space<hbm>>) dst(%arg9 : memref<128x128xf32, #tpu.memory_space<vmem>>)
      "tpu.region"() ({
        %run_scoped3A = tpu.sem_alloc : memref<!tpu.dma_semaphore, #tpu.memory_space<semaphore_mem>>
        %dma_start3A_22 = arith.constant 0 : i32
        %dma_start3A_23 = tpu.memref_slice %arg6[%add3A_17, %dma_start3A_22] : memref<65536x128xf32, #tpu.memory_space<hbm>> -> memref<128x128xf32, #tpu.memory_space<hbm>>
        %dma_start3A_24 = arith.constant 0 : i32
        %dma_start3A_25 = tpu.memref_slice %arg6[%add3A_17, %dma_start3A_24] : memref<65536x128xf32, #tpu.memory_space<hbm>> -> memref<128x128xf32, #tpu.memory_space<hbm>>
        tpu.enqueue_dma source(%arg9 : memref<128x128xf32, #tpu.memory_space<vmem>>) target(%dma_start3A_25 : memref<128x128xf32, #tpu.memory_space<hbm>>) target_semaphore(%run_scoped3A : memref<!tpu.dma_semaphore, #tpu.memory_space<semaphore_mem>>)
        %dma_wait3A_26 = arith.constant 0 : i32
        %dma_wait3A_27 = tpu.memref_slice %arg6[%add3A_17, %dma_wait3A_26] : memref<65536x128xf32, #tpu.memory_space<hbm>> -> memref<128x128xf32, #tpu.memory_space<hbm>>
        %dma_wait3A_28 = arith.constant 0 : i32
        %dma_wait3A_29 = tpu.memref_slice %arg6[%add3A_17, %dma_wait3A_28] : memref<65536x128xf32, #tpu.memory_space<hbm>> -> memref<128x128xf32, #tpu.memory_space<hbm>>
        tpu.wait_dma2 semaphore(%run_scoped3A : memref<!tpu.dma_semaphore, #tpu.memory_space<semaphore_mem>>) src(%arg9 : memref<128x128xf32, #tpu.memory_space<vmem>>) dst(%dma_wait3A_29 : memref<128x128xf32, #tpu.memory_space<hbm>>)
        tpu.yield
      }) : () -> ()
    }
    %scan3A_5 = arith.constant 16 : i32
    %scan3A_6 = arith.constant 0 : i32
    %scan3A_7 = arith.constant 0 : i32
    %scan3A_8 = arith.constant 48 : i32
    %scan3A_9 = arith.addi %scan3A_7, %scan3A_8 : i32
    %scan3A_10 = arith.constant 1 : i32
    scf.for %scan3A_12 = %scan3A_7 to %scan3A_9 step %scan3A_10  : i32 {
      %mul3A_13 = arith.constant 6144 : i32
      %mul3A_14 = arith.muli %add3A, %mul3A_13 : i32
      %mul3A_15 = arith.constant 128 : i32
      %mul3A_16 = arith.muli %scan3A_12, %mul3A_15 : i32
      %add3A_17 = arith.addi %mul3A_14, %mul3A_16 : i32
      "tpu.region"() ({
        %run_scoped3A = tpu.sem_alloc : memref<!tpu.dma_semaphore, #tpu.memory_space<semaphore_mem>>
        %dma_start3A_20 = tpu.memref_slice %arg3[%add3A_17] : memref<196608xi32, #tpu.memory_space<hbm>> -> memref<128xi32, #tpu.memory_space<hbm>>
        %dma_start3A_21 = tpu.memref_slice %arg3[%add3A_17] : memref<196608xi32, #tpu.memory_space<hbm>> -> memref<128xi32, #tpu.memory_space<hbm>>
        tpu.enqueue_dma source(%dma_start3A_21 : memref<128xi32, #tpu.memory_space<hbm>>) target(%arg8 : memref<128xi32, #tpu.memory_space<vmem>>) target_semaphore(%run_scoped3A : memref<!tpu.dma_semaphore, #tpu.memory_space<semaphore_mem>>)
        %dma_wait3A_22 = tpu.memref_slice %arg3[%add3A_17] : memref<196608xi32, #tpu.memory_space<hbm>> -> memref<128xi32, #tpu.memory_space<hbm>>
        %dma_wait3A_23 = tpu.memref_slice %arg3[%add3A_17] : memref<196608xi32, #tpu.memory_space<hbm>> -> memref<128xi32, #tpu.memory_space<hbm>>
        tpu.wait_dma2 semaphore(%run_scoped3A : memref<!tpu.dma_semaphore, #tpu.memory_space<semaphore_mem>>) src(%dma_wait3A_23 : memref<128xi32, #tpu.memory_space<hbm>>) dst(%arg8 : memref<128xi32, #tpu.memory_space<vmem>>)
        tpu.yield
      }) : () -> ()
      %dma_start3A = arith.constant 0 : i32
      %dma_start3A_18 = tpu.memref_slice %arg5[%dma_start3A] : memref<196608xf32, #tpu.memory_space<hbm>> -> memref<196608xf32, #tpu.memory_space<hbm>>
      tpu.enqueue_indirect_dma source(%dma_start3A_18 : memref<196608xf32, #tpu.memory_space<hbm>>) target(%arg10 : memref<128xf32, #tpu.memory_space<vmem>>) offsets(%arg8 : memref<128xi32, #tpu.memory_space<vmem>>) semaphore(%arg11 : memref<!tpu.dma_semaphore, #tpu.memory_space<semaphore_mem>>)
      %dma_wait3A = arith.constant 0 : i32
      %dma_wait3A_19 = tpu.memref_slice %arg5[%dma_wait3A] : memref<196608xf32, #tpu.memory_space<hbm>> -> memref<196608xf32, #tpu.memory_space<hbm>>
      tpu.wait_indirect_dma semaphore(%arg11 : memref<!tpu.dma_semaphore, #tpu.memory_space<semaphore_mem>>) src(%dma_wait3A_19 : memref<196608xf32, #tpu.memory_space<hbm>>) dst(%arg10 : memref<128xf32, #tpu.memory_space<vmem>>)
      "tpu.region"() ({
        %run_scoped3A = tpu.sem_alloc : memref<!tpu.dma_semaphore, #tpu.memory_space<semaphore_mem>>
        %dma_start3A_20 = tpu.memref_slice %arg7[%add3A_17] : memref<196608xf32, #tpu.memory_space<hbm>> -> memref<128xf32, #tpu.memory_space<hbm>>
        %dma_start3A_21 = tpu.memref_slice %arg7[%add3A_17] : memref<196608xf32, #tpu.memory_space<hbm>> -> memref<128xf32, #tpu.memory_space<hbm>>
        tpu.enqueue_dma source(%arg10 : memref<128xf32, #tpu.memory_space<vmem>>) target(%dma_start3A_21 : memref<128xf32, #tpu.memory_space<hbm>>) target_semaphore(%run_scoped3A : memref<!tpu.dma_semaphore, #tpu.memory_space<semaphore_mem>>)
        %dma_wait3A_22 = tpu.memref_slice %arg7[%add3A_17] : memref<196608xf32, #tpu.memory_space<hbm>> -> memref<128xf32, #tpu.memory_space<hbm>>
        %dma_wait3A_23 = tpu.memref_slice %arg7[%add3A_17] : memref<196608xf32, #tpu.memory_space<hbm>> -> memref<128xf32, #tpu.memory_space<hbm>>
        tpu.wait_dma2 semaphore(%run_scoped3A : memref<!tpu.dma_semaphore, #tpu.memory_space<semaphore_mem>>) src(%arg10 : memref<128xf32, #tpu.memory_space<vmem>>) dst(%dma_wait3A_23 : memref<128xf32, #tpu.memory_space<hbm>>)
        tpu.yield
      }) : () -> ()
    }
    %scan3A_11 = arith.constant 48 : i32
    return
  }
}

#map = affine_map<(d0, d1) -> (0)>
#map1 = affine_map<(d0, d1) -> (0, 0)>
module attributes {stable_mosaic.version = 14 : i64} {
  func.func @gk(%arg0: i32, %arg1: i32, %arg2: memref<65536xi32, #tpu.memory_space<hbm>>, %arg3: memref<196608xi32, #tpu.memory_space<hbm>>, %arg4: memref<65536x128xf32, #tpu.memory_space<hbm>>, %arg5: memref<196608xf32, #tpu.memory_space<hbm>>, %arg6: memref<65536x128xf32, #tpu.memory_space<hbm>>, %arg7: memref<196608xf32, #tpu.memory_space<hbm>>, %arg8: memref<128xi32, #tpu.memory_space<vmem>>, %arg9: memref<128x128xf32, #tpu.memory_space<vmem>>, %arg10: memref<128xf32, #tpu.memory_space<vmem>>, %arg11: memref<!tpu.dma_semaphore, #tpu.memory_space<semaphore_mem>>) attributes {dimension_semantics = [#tpu.dimension_semantics<core_parallel>, #tpu.dimension_semantics<subcore_parallel>], iteration_bounds = array<i64: 2, 16>, scalar_prefetch = 0 : i64, scratch_operands = 4 : i64, tpu.core_type = #tpu.core_type<sc_vector_subcore>, window_params = [{transform_indices = #map}, {transform_indices = #map}, {transform_indices = #map1}, {transform_indices = #map}, {transform_indices = #map1}, {transform_indices = #map}]} {
    %mul3A = arith.constant 2 : i32
    %mul3A_0 = arith.muli %arg1, %mul3A : i32
    %add3A = arith.addi %mul3A_0, %arg0 : i32
    %scan3A = arith.constant 0 : i32
    %scan3A_1 = arith.constant 0 : i32
    %scan3A_2 = arith.constant 16 : i32
    %scan3A_3 = arith.addi %scan3A_1, %scan3A_2 : i32
    %scan3A_4 = arith.constant 1 : i32
    scf.for %scan3A_12 = %scan3A_1 to %scan3A_3 step %scan3A_4  : i32 {
      %mul3A_13 = arith.constant 2048 : i32
      %mul3A_14 = arith.muli %add3A, %mul3A_13 : i32
      %mul3A_15 = arith.constant 128 : i32
      %mul3A_16 = arith.muli %scan3A_12, %mul3A_15 : i32
      %add3A_17 = arith.addi %mul3A_14, %mul3A_16 : i32
      "tpu.region"() ({
        %run_scoped3A = tpu.sem_alloc : memref<!tpu.dma_semaphore, #tpu.memory_space<semaphore_mem>>
        %dma_start3A_22 = tpu.memref_slice %arg2[%add3A_17] : memref<65536xi32, #tpu.memory_space<hbm>> -> memref<128xi32, #tpu.memory_space<hbm>>
        %dma_start3A_23 = tpu.memref_slice %arg2[%add3A_17] : memref<65536xi32, #tpu.memory_space<hbm>> -> memref<128xi32, #tpu.memory_space<hbm>>
        tpu.enqueue_dma source(%dma_start3A_23 : memref<128xi32, #tpu.memory_space<hbm>>) target(%arg8 : memref<128xi32, #tpu.memory_space<vmem>>) target_semaphore(%run_scoped3A : memref<!tpu.dma_semaphore, #tpu.memory_space<semaphore_mem>>)
        %dma_wait3A_24 = tpu.memref_slice %arg2[%add3A_17] : memref<65536xi32, #tpu.memory_space<hbm>> -> memref<128xi32, #tpu.memory_space<hbm>>
        %dma_wait3A_25 = tpu.memref_slice %arg2[%add3A_17] : memref<65536xi32, #tpu.memory_space<hbm>> -> memref<128xi32, #tpu.memory_space<hbm>>
        tpu.wait_dma2 semaphore(%run_scoped3A : memref<!tpu.dma_semaphore, #tpu.memory_space<semaphore_mem>>) src(%dma_wait3A_25 : memref<128xi32, #tpu.memory_space<hbm>>) dst(%arg8 : memref<128xi32, #tpu.memory_space<vmem>>)
        tpu.yield
      }) : () -> ()
      %dma_start3A = arith.constant 0 : i32
      %dma_start3A_18 = arith.constant 0 : i32
      %dma_start3A_19 = tpu.memref_slice %arg4[%dma_start3A, %dma_start3A_18] : memref<65536x128xf32, #tpu.memory_space<hbm>> -> memref<65536x128xf32, #tpu.memory_space<hbm>>
      tpu.enqueue_indirect_dma source(%dma_start3A_19 : memref<65536x128xf32, #tpu.memory_space<hbm>>) target(%arg9 : memref<128x128xf32, #tpu.memory_space<vmem>>) offsets(%arg8 : memref<128xi32, #tpu.memory_space<vmem>>) semaphore(%arg11 : memref<!tpu.dma_semaphore, #tpu.memory_space<semaphore_mem>>)
      %dma_wait3A = arith.constant 0 : i32
      %dma_wait3A_20 = arith.constant 0 : i32
      %dma_wait3A_21 = tpu.memref_slice %arg4[%dma_wait3A, %dma_wait3A_20] : memref<65536x128xf32, #tpu.memory_space<hbm>> -> memref<65536x128xf32, #tpu.memory_space<hbm>>
      tpu.wait_indirect_dma semaphore(%arg11 : memref<!tpu.dma_semaphore, #tpu.memory_space<semaphore_mem>>) src(%dma_wait3A_21 : memref<65536x128xf32, #tpu.memory_space<hbm>>) dst(%arg9 : memref<128x128xf32, #tpu.memory_space<vmem>>)
      "tpu.region"() ({
        %run_scoped3A = tpu.sem_alloc : memref<!tpu.dma_semaphore, #tpu.memory_space<semaphore_mem>>
        %dma_start3A_22 = arith.constant 0 : i32
        %dma_start3A_23 = tpu.memref_slice %arg6[%add3A_17, %dma_start3A_22] : memref<65536x128xf32, #tpu.memory_space<hbm>> -> memref<128x128xf32, #tpu.memory_space<hbm>>
        %dma_start3A_24 = arith.constant 0 : i32
        %dma_start3A_25 = tpu.memref_slice %arg6[%add3A_17, %dma_start3A_24] : memref<65536x128xf32, #tpu.memory_space<hbm>> -> memref<128x128xf32, #tpu.memory_space<hbm>>
        tpu.enqueue_dma source(%arg9 : memref<128x128xf32, #tpu.memory_space<vmem>>) target(%dma_start3A_25 : memref<128x128xf32, #tpu.memory_space<hbm>>) target_semaphore(%run_scoped3A : memref<!tpu.dma_semaphore, #tpu.memory_space<semaphore_mem>>)
        %dma_wait3A_26 = arith.constant 0 : i32
        %dma_wait3A_27 = tpu.memref_slice %arg6[%add3A_17, %dma_wait3A_26] : memref<65536x128xf32, #tpu.memory_space<hbm>> -> memref<128x128xf32, #tpu.memory_space<hbm>>
        %dma_wait3A_28 = arith.constant 0 : i32
        %dma_wait3A_29 = tpu.memref_slice %arg6[%add3A_17, %dma_wait3A_28] : memref<65536x128xf32, #tpu.memory_space<hbm>> -> memref<128x128xf32, #tpu.memory_space<hbm>>
        tpu.wait_dma2 semaphore(%run_scoped3A : memref<!tpu.dma_semaphore, #tpu.memory_space<semaphore_mem>>) src(%arg9 : memref<128x128xf32, #tpu.memory_space<vmem>>) dst(%dma_wait3A_29 : memref<128x128xf32, #tpu.memory_space<hbm>>)
        tpu.yield
      }) : () -> ()
    }
    %scan3A_5 = arith.constant 16 : i32
    %scan3A_6 = arith.constant 0 : i32
    %scan3A_7 = arith.constant 0 : i32
    %scan3A_8 = arith.constant 48 : i32
    %scan3A_9 = arith.addi %scan3A_7, %scan3A_8 : i32
    %scan3A_10 = arith.constant 1 : i32
    scf.for %scan3A_12 = %scan3A_7 to %scan3A_9 step %scan3A_10  : i32 {
      %mul3A_13 = arith.constant 6144 : i32
      %mul3A_14 = arith.muli %add3A, %mul3A_13 : i32
      %mul3A_15 = arith.constant 128 : i32
      %mul3A_16 = arith.muli %scan3A_12, %mul3A_15 : i32
      %add3A_17 = arith.addi %mul3A_14, %mul3A_16 : i32
      "tpu.region"() ({
        %run_scoped3A = tpu.sem_alloc : memref<!tpu.dma_semaphore, #tpu.memory_space<semaphore_mem>>
        %dma_start3A_20 = tpu.memref_slice %arg3[%add3A_17] : memref<196608xi32, #tpu.memory_space<hbm>> -> memref<128xi32, #tpu.memory_space<hbm>>
        %dma_start3A_21 = tpu.memref_slice %arg3[%add3A_17] : memref<196608xi32, #tpu.memory_space<hbm>> -> memref<128xi32, #tpu.memory_space<hbm>>
        tpu.enqueue_dma source(%dma_start3A_21 : memref<128xi32, #tpu.memory_space<hbm>>) target(%arg8 : memref<128xi32, #tpu.memory_space<vmem>>) target_semaphore(%run_scoped3A : memref<!tpu.dma_semaphore, #tpu.memory_space<semaphore_mem>>)
        %dma_wait3A_22 = tpu.memref_slice %arg3[%add3A_17] : memref<196608xi32, #tpu.memory_space<hbm>> -> memref<128xi32, #tpu.memory_space<hbm>>
        %dma_wait3A_23 = tpu.memref_slice %arg3[%add3A_17] : memref<196608xi32, #tpu.memory_space<hbm>> -> memref<128xi32, #tpu.memory_space<hbm>>
        tpu.wait_dma2 semaphore(%run_scoped3A : memref<!tpu.dma_semaphore, #tpu.memory_space<semaphore_mem>>) src(%dma_wait3A_23 : memref<128xi32, #tpu.memory_space<hbm>>) dst(%arg8 : memref<128xi32, #tpu.memory_space<vmem>>)
        tpu.yield
      }) : () -> ()
      %dma_start3A = arith.constant 0 : i32
      %dma_start3A_18 = tpu.memref_slice %arg5[%dma_start3A] : memref<196608xf32, #tpu.memory_space<hbm>> -> memref<196608xf32, #tpu.memory_space<hbm>>
      tpu.enqueue_indirect_dma source(%dma_start3A_18 : memref<196608xf32, #tpu.memory_space<hbm>>) target(%arg10 : memref<128xf32, #tpu.memory_space<vmem>>) offsets(%arg8 : memref<128xi32, #tpu.memory_space<vmem>>) semaphore(%arg11 : memref<!tpu.dma_semaphore, #tpu.memory_space<semaphore_mem>>)
      %dma_wait3A = arith.constant 0 : i32
      %dma_wait3A_19 = tpu.memref_slice %arg5[%dma_wait3A] : memref<196608xf32, #tpu.memory_space<hbm>> -> memref<196608xf32, #tpu.memory_space<hbm>>
      tpu.wait_indirect_dma semaphore(%arg11 : memref<!tpu.dma_semaphore, #tpu.memory_space<semaphore_mem>>) src(%dma_wait3A_19 : memref<196608xf32, #tpu.memory_space<hbm>>) dst(%arg10 : memref<128xf32, #tpu.memory_space<vmem>>)
      "tpu.region"() ({
        %run_scoped3A = tpu.sem_alloc : memref<!tpu.dma_semaphore, #tpu.memory_space<semaphore_mem>>
        %dma_start3A_20 = tpu.memref_slice %arg7[%add3A_17] : memref<196608xf32, #tpu.memory_space<hbm>> -> memref<128xf32, #tpu.memory_space<hbm>>
        %dma_start3A_21 = tpu.memref_slice %arg7[%add3A_17] : memref<196608xf32, #tpu.memory_space<hbm>> -> memref<128xf32, #tpu.memory_space<hbm>>
        tpu.enqueue_dma source(%arg10 : memref<128xf32, #tpu.memory_space<vmem>>) target(%dma_start3A_21 : memref<128xf32, #tpu.memory_space<hbm>>) target_semaphore(%run_scoped3A : memref<!tpu.dma_semaphore, #tpu.memory_space<semaphore_mem>>)
        %dma_wait3A_22 = tpu.memref_slice %arg7[%add3A_17] : memref<196608xf32, #tpu.memory_space<hbm>> -> memref<128xf32, #tpu.memory_space<hbm>>
        %dma_wait3A_23 = tpu.memref_slice %arg7[%add3A_17] : memref<196608xf32, #tpu.memory_space<hbm>> -> memref<128xf32, #tpu.memory_space<hbm>>
        tpu.wait_dma2 semaphore(%run_scoped3A : memref<!tpu.dma_semaphore, #tpu.memory_space<semaphore_mem>>) src(%arg10 : memref<128xf32, #tpu.memory_space<vmem>>) dst(%dma_wait3A_23 : memref<128xf32, #tpu.memory_space<hbm>>)
        tpu.yield
      }) : () -> ()
    }
    %scan3A_11 = arith.constant 48 : i32
    return
  }
}

module attributes {stable_mosaic.version = 14 : i64} {
  func.func @_knn_body(%arg0: i32, %arg1: i32, %arg2: memref<1x3x8192xf32, #tpu.memory_space<vmem>>, %arg3: memref<1x128x3xf32, #tpu.memory_space<vmem>>, %arg4: memref<1x128x32xi32, #tpu.memory_space<vmem>>) attributes {dimension_semantics = [#tpu.dimension_semantics<arbitrary>, #tpu.dimension_semantics<arbitrary>], iteration_bounds = array<i64: 4, 4>, scalar_prefetch = 0 : i64, scratch_operands = 0 : i64, tpu.core_type = #tpu.core_type<tc>, window_params = [{transform_indices = @transform_0, window_bounds = array<i64: 1, 3, 8192>}, {transform_indices = @transform_1, window_bounds = array<i64: 1, 128, 3>}, {transform_indices = @transform_2, window_bounds = array<i64: 1, 128, 32>}]} {
    %get3A = arith.constant 0 : index
    %get3A_0 = arith.constant 0 : index
    %get3A_1 = arith.constant 0 : index
    %get3A_2 = vector.load %arg2[%get3A, %get3A_0, %get3A_1] : memref<1x3x8192xf32, #tpu.memory_space<vmem>>, vector<1x3x8192xf32>
    %get3A_3 = vector.shape_cast %get3A_2 : vector<1x3x8192xf32> to vector<3x8192xf32>
    %slice3A = vector.extract_strided_slice %get3A_3 {offsets = [0, 0], sizes = [1, 8192], strides = [1, 1]} : vector<3x8192xf32> to vector<1x8192xf32>
    %slice3A_4 = vector.extract_strided_slice %get3A_3 {offsets = [1, 0], sizes = [1, 8192], strides = [1, 1]} : vector<3x8192xf32> to vector<1x8192xf32>
    %slice3A_5 = vector.extract_strided_slice %get3A_3 {offsets = [2, 0], sizes = [1, 8192], strides = [1, 1]} : vector<3x8192xf32> to vector<1x8192xf32>
    %get3A_6 = arith.constant 0 : index
    %get3A_7 = arith.constant 0 : index
    %get3A_8 = arith.constant 0 : index
    %get3A_9 = vector.load %arg3[%get3A_6, %get3A_7, %get3A_8] : memref<1x128x3xf32, #tpu.memory_space<vmem>>, vector<1x128x3xf32>
    %get3A_10 = vector.shape_cast %get3A_9 : vector<1x128x3xf32> to vector<128x3xf32>
    %slice3A_11 = vector.extract_strided_slice %get3A_10 {offsets = [0, 0], sizes = [128, 1], strides = [1, 1]} : vector<128x3xf32> to vector<128x1xf32>
    %slice3A_12 = vector.extract_strided_slice %get3A_10 {offsets = [0, 1], sizes = [128, 1], strides = [1, 1]} : vector<128x3xf32> to vector<128x1xf32>
    %slice3A_13 = vector.extract_strided_slice %get3A_10 {offsets = [0, 2], sizes = [128, 1], strides = [1, 1]} : vector<128x3xf32> to vector<128x1xf32>
    %convert_element_type3A = arith.truncf %slice3A_11 : vector<128x1xf32> to vector<128x1xbf16>
    %convert_element_type3A_14 = arith.extf %convert_element_type3A : vector<128x1xbf16> to vector<128x1xf32>
    %convert_element_type3A_15 = arith.truncf %slice3A_12 : vector<128x1xf32> to vector<128x1xbf16>
    %convert_element_type3A_16 = arith.extf %convert_element_type3A_15 : vector<128x1xbf16> to vector<128x1xf32>
    %convert_element_type3A_17 = arith.truncf %slice3A_13 : vector<128x1xf32> to vector<128x1xbf16>
    %convert_element_type3A_18 = arith.extf %convert_element_type3A_17 : vector<128x1xbf16> to vector<128x1xf32>
    %convert_element_type3A_19 = arith.truncf %slice3A : vector<1x8192xf32> to vector<1x8192xbf16>
    %convert_element_type3A_20 = arith.extf %convert_element_type3A_19 : vector<1x8192xbf16> to vector<1x8192xf32>
    %convert_element_type3A_21 = arith.truncf %slice3A_4 : vector<1x8192xf32> to vector<1x8192xbf16>
    %convert_element_type3A_22 = arith.extf %convert_element_type3A_21 : vector<1x8192xbf16> to vector<1x8192xf32>
    %convert_element_type3A_23 = arith.truncf %slice3A_5 : vector<1x8192xf32> to vector<1x8192xbf16>
    %convert_element_type3A_24 = arith.extf %convert_element_type3A_23 : vector<1x8192xbf16> to vector<1x8192xf32>
    %mul3A = vector.broadcast %convert_element_type3A_14 : vector<128x1xf32> to vector<128x8192xf32>
    %mul3A_25 = vector.broadcast %convert_element_type3A_20 : vector<1x8192xf32> to vector<128x8192xf32>
    %mul3A_26 = arith.mulf %mul3A, %mul3A_25 : vector<128x8192xf32>
    %mul3A_27 = vector.broadcast %convert_element_type3A_16 : vector<128x1xf32> to vector<128x8192xf32>
    %mul3A_28 = vector.broadcast %convert_element_type3A_22 : vector<1x8192xf32> to vector<128x8192xf32>
    %mul3A_29 = arith.mulf %mul3A_27, %mul3A_28 : vector<128x8192xf32>
    %add3A = arith.addf %mul3A_26, %mul3A_29 : vector<128x8192xf32>
    %mul3A_30 = vector.broadcast %convert_element_type3A_18 : vector<128x1xf32> to vector<128x8192xf32>
    %mul3A_31 = vector.broadcast %convert_element_type3A_24 : vector<1x8192xf32> to vector<128x8192xf32>
    %mul3A_32 = arith.mulf %mul3A_30, %mul3A_31 : vector<128x8192xf32>
    %add3A_33 = arith.addf %add3A, %mul3A_32 : vector<128x8192xf32>
    %mul3A_34 = arith.mulf %slice3A_11, %slice3A_11 : vector<128x1xf32>
    %mul3A_35 = arith.mulf %slice3A_12, %slice3A_12 : vector<128x1xf32>
    %add3A_36 = arith.addf %mul3A_34, %mul3A_35 : vector<128x1xf32>
    %mul3A_37 = arith.mulf %slice3A_13, %slice3A_13 : vector<128x1xf32>
    %add3A_38 = arith.addf %add3A_36, %mul3A_37 : vector<128x1xf32>
    %mul3A_39 = arith.mulf %slice3A, %slice3A : vector<1x8192xf32>
    %mul3A_40 = arith.mulf %slice3A_4, %slice3A_4 : vector<1x8192xf32>
    %add3A_41 = arith.addf %mul3A_39, %mul3A_40 : vector<1x8192xf32>
    %mul3A_42 = arith.mulf %slice3A_5, %slice3A_5 : vector<1x8192xf32>
    %add3A_43 = arith.addf %add3A_41, %mul3A_42 : vector<1x8192xf32>
    %mul3A_44 = arith.constant -2.000000e+00 : f32
    %mul3A_45 = vector.broadcast %mul3A_44 : f32 to vector<128x8192xf32>
    %mul3A_46 = arith.mulf %mul3A_45, %add3A_33 : vector<128x8192xf32>
    %add3A_47 = vector.broadcast %add3A_38 : vector<128x1xf32> to vector<128x8192xf32>
    %add3A_48 = arith.addf %mul3A_46, %add3A_47 : vector<128x8192xf32>
    %add3A_49 = vector.broadcast %add3A_43 : vector<1x8192xf32> to vector<128x8192xf32>
    %add3A_50 = arith.addf %add3A_48, %add3A_49 : vector<128x8192xf32>
    %iota3A = tpu.iota {dimensions = array<i32: 1>} : vector<128x8192xi32>
    %reduce_min3A = arith.constant dense<0x7F800000> : vector<128xf32>
    %reduce_min3A_51 = vector.multi_reduction <minimumf>, %add3A_50, %reduce_min3A [1] : vector<128x8192xf32> to vector<128xf32>
    %broadcast_in_dim3A = vector.shape_cast %reduce_min3A_51 : vector<128xf32> to vector<128x1xf32>
    %eq3A = vector.broadcast %broadcast_in_dim3A : vector<128x1xf32> to vector<128x8192xf32>
    %eq3A_52 = arith.cmpf oeq, %add3A_50, %eq3A : vector<128x8192xf32>
    %jit3A = arith.constant 8192 : i32
    %broadcast_in_dim3A_53 = vector.broadcast %jit3A : i32 to vector<128x8192xi32>
    %select_n3A = arith.select %eq3A_52, %iota3A, %broadcast_in_dim3A_53 : vector<128x8192xi1>, vector<128x8192xi32>
    %reduce_min3A_54 = arith.constant dense<2147483647> : vector<128xi32>
    %reduce_min3A_55 = vector.multi_reduction <minsi>, %select_n3A, %reduce_min3A_54 [1] : vector<128x8192xi32> to vector<128xi32>
    %broadcast_in_dim3A_56 = vector.shape_cast %reduce_min3A_55 : vector<128xi32> to vector<128x1xi32>
    %eq3A_57 = vector.broadcast %broadcast_in_dim3A_56 : vector<128x1xi32> to vector<128x8192xi32>
    %eq3A_58 = arith.cmpi eq, %iota3A, %eq3A_57 : vector<128x8192xi32>
    %jit3A_59 = arith.constant 0x7F800000 : f32
    %broadcast_in_dim3A_60 = vector.broadcast %jit3A_59 : f32 to vector<128x8192xf32>
    %select_n3A_61 = arith.select %eq3A_58, %broadcast_in_dim3A_60, %add3A_50 : vector<128x8192xi1>, vector<128x8192xf32>
    %reduce_min3A_62 = arith.constant dense<0x7F800000> : vector<128xf32>
    %reduce_min3A_63 = vector.multi_reduction <minimumf>, %select_n3A_61, %reduce_min3A_62 [1] : vector<128x8192xf32> to vector<128xf32>
    %broadcast_in_dim3A_64 = vector.shape_cast %reduce_min3A_63 : vector<128xf32> to vector<128x1xf32>
    %eq3A_65 = vector.broadcast %broadcast_in_dim3A_64 : vector<128x1xf32> to vector<128x8192xf32>
    %eq3A_66 = arith.cmpf oeq, %select_n3A_61, %eq3A_65 : vector<128x8192xf32>
    %jit3A_67 = arith.constant 8192 : i32
    %broadcast_in_dim3A_68 = vector.broadcast %jit3A_67 : i32 to vector<128x8192xi32>
    %select_n3A_69 = arith.select %eq3A_66, %iota3A, %broadcast_in_dim3A_68 : vector<128x8192xi1>, vector<128x8192xi32>
    %reduce_min3A_70 = arith.constant dense<2147483647> : vector<128xi32>
    %reduce_min3A_71 = vector.multi_reduction <minsi>, %select_n3A_69, %reduce_min3A_70 [1] : vector<128x8192xi32> to vector<128xi32>
    %broadcast_in_dim3A_72 = vector.shape_cast %reduce_min3A_71 : vector<128xi32> to vector<128x1xi32>
    %eq3A_73 = vector.broadcast %broadcast_in_dim3A_72 : vector<128x1xi32> to vector<128x8192xi32>
    %eq3A_74 = arith.cmpi eq, %iota3A, %eq3A_73 : vector<128x8192xi32>
    %jit3A_75 = arith.constant 0x7F800000 : f32
    %broadcast_in_dim3A_76 = vector.broadcast %jit3A_75 : f32 to vector<128x8192xf32>
    %select_n3A_77 = arith.select %eq3A_74, %broadcast_in_dim3A_76, %select_n3A_61 : vector<128x8192xi1>, vector<128x8192xf32>
    %reduce_min3A_78 = arith.constant dense<0x7F800000> : vector<128xf32>
    %reduce_min3A_79 = vector.multi_reduction <minimumf>, %select_n3A_77, %reduce_min3A_78 [1] : vector<128x8192xf32> to vector<128xf32>
    %broadcast_in_dim3A_80 = vector.shape_cast %reduce_min3A_79 : vector<128xf32> to vector<128x1xf32>
    %eq3A_81 = vector.broadcast %broadcast_in_dim3A_80 : vector<128x1xf32> to vector<128x8192xf32>
    %eq3A_82 = arith.cmpf oeq, %select_n3A_77, %eq3A_81 : vector<128x8192xf32>
    %jit3A_83 = arith.constant 8192 : i32
    %broadcast_in_dim3A_84 = vector.broadcast %jit3A_83 : i32 to vector<128x8192xi32>
    %select_n3A_85 = arith.select %eq3A_82, %iota3A, %broadcast_in_dim3A_84 : vector<128x8192xi1>, vector<128x8192xi32>
    %reduce_min3A_86 = arith.constant dense<2147483647> : vector<128xi32>
    %reduce_min3A_87 = vector.multi_reduction <minsi>, %select_n3A_85, %reduce_min3A_86 [1] : vector<128x8192xi32> to vector<128xi32>
    %broadcast_in_dim3A_88 = vector.shape_cast %reduce_min3A_87 : vector<128xi32> to vector<128x1xi32>
    %eq3A_89 = vector.broadcast %broadcast_in_dim3A_88 : vector<128x1xi32> to vector<128x8192xi32>
    %eq3A_90 = arith.cmpi eq, %iota3A, %eq3A_89 : vector<128x8192xi32>
    %jit3A_91 = arith.constant 0x7F800000 : f32
    %broadcast_in_dim3A_92 = vector.broadcast %jit3A_91 : f32 to vector<128x8192xf32>
    %select_n3A_93 = arith.select %eq3A_90, %broadcast_in_dim3A_92, %select_n3A_77 : vector<128x8192xi1>, vector<128x8192xf32>
    %reduce_min3A_94 = arith.constant dense<0x7F800000> : vector<128xf32>
    %reduce_min3A_95 = vector.multi_reduction <minimumf>, %select_n3A_93, %reduce_min3A_94 [1] : vector<128x8192xf32> to vector<128xf32>
    %broadcast_in_dim3A_96 = vector.shape_cast %reduce_min3A_95 : vector<128xf32> to vector<128x1xf32>
    %eq3A_97 = vector.broadcast %broadcast_in_dim3A_96 : vector<128x1xf32> to vector<128x8192xf32>
    %eq3A_98 = arith.cmpf oeq, %select_n3A_93, %eq3A_97 : vector<128x8192xf32>
    %jit3A_99 = arith.constant 8192 : i32
    %broadcast_in_dim3A_100 = vector.broadcast %jit3A_99 : i32 to vector<128x8192xi32>
    %select_n3A_101 = arith.select %eq3A_98, %iota3A, %broadcast_in_dim3A_100 : vector<128x8192xi1>, vector<128x8192xi32>
    %reduce_min3A_102 = arith.constant dense<2147483647> : vector<128xi32>
    %reduce_min3A_103 = vector.multi_reduction <minsi>, %select_n3A_101, %reduce_min3A_102 [1] : vector<128x8192xi32> to vector<128xi32>
    %broadcast_in_dim3A_104 = vector.shape_cast %reduce_min3A_103 : vector<128xi32> to vector<128x1xi32>
    %eq3A_105 = vector.broadcast %broadcast_in_dim3A_104 : vector<128x1xi32> to vector<128x8192xi32>
    %eq3A_106 = arith.cmpi eq, %iota3A, %eq3A_105 : vector<128x8192xi32>
    %jit3A_107 = arith.constant 0x7F800000 : f32
    %broadcast_in_dim3A_108 = vector.broadcast %jit3A_107 : f32 to vector<128x8192xf32>
    %select_n3A_109 = arith.select %eq3A_106, %broadcast_in_dim3A_108, %select_n3A_93 : vector<128x8192xi1>, vector<128x8192xf32>
    %reduce_min3A_110 = arith.constant dense<0x7F800000> : vector<128xf32>
    %reduce_min3A_111 = vector.multi_reduction <minimumf>, %select_n3A_109, %reduce_min3A_110 [1] : vector<128x8192xf32> to vector<128xf32>
    %broadcast_in_dim3A_112 = vector.shape_cast %reduce_min3A_111 : vector<128xf32> to vector<128x1xf32>
    %eq3A_113 = vector.broadcast %broadcast_in_dim3A_112 : vector<128x1xf32> to vector<128x8192xf32>
    %eq3A_114 = arith.cmpf oeq, %select_n3A_109, %eq3A_113 : vector<128x8192xf32>
    %jit3A_115 = arith.constant 8192 : i32
    %broadcast_in_dim3A_116 = vector.broadcast %jit3A_115 : i32 to vector<128x8192xi32>
    %select_n3A_117 = arith.select %eq3A_114, %iota3A, %broadcast_in_dim3A_116 : vector<128x8192xi1>, vector<128x8192xi32>
    %reduce_min3A_118 = arith.constant dense<2147483647> : vector<128xi32>
    %reduce_min3A_119 = vector.multi_reduction <minsi>, %select_n3A_117, %reduce_min3A_118 [1] : vector<128x8192xi32> to vector<128xi32>
    %broadcast_in_dim3A_120 = vector.shape_cast %reduce_min3A_119 : vector<128xi32> to vector<128x1xi32>
    %eq3A_121 = vector.broadcast %broadcast_in_dim3A_120 : vector<128x1xi32> to vector<128x8192xi32>
    %eq3A_122 = arith.cmpi eq, %iota3A, %eq3A_121 : vector<128x8192xi32>
    %jit3A_123 = arith.constant 0x7F800000 : f32
    %broadcast_in_dim3A_124 = vector.broadcast %jit3A_123 : f32 to vector<128x8192xf32>
    %select_n3A_125 = arith.select %eq3A_122, %broadcast_in_dim3A_124, %select_n3A_109 : vector<128x8192xi1>, vector<128x8192xf32>
    %reduce_min3A_126 = arith.constant dense<0x7F800000> : vector<128xf32>
    %reduce_min3A_127 = vector.multi_reduction <minimumf>, %select_n3A_125, %reduce_min3A_126 [1] : vector<128x8192xf32> to vector<128xf32>
    %broadcast_in_dim3A_128 = vector.shape_cast %reduce_min3A_127 : vector<128xf32> to vector<128x1xf32>
    %eq3A_129 = vector.broadcast %broadcast_in_dim3A_128 : vector<128x1xf32> to vector<128x8192xf32>
    %eq3A_130 = arith.cmpf oeq, %select_n3A_125, %eq3A_129 : vector<128x8192xf32>
    %jit3A_131 = arith.constant 8192 : i32
    %broadcast_in_dim3A_132 = vector.broadcast %jit3A_131 : i32 to vector<128x8192xi32>
    %select_n3A_133 = arith.select %eq3A_130, %iota3A, %broadcast_in_dim3A_132 : vector<128x8192xi1>, vector<128x8192xi32>
    %reduce_min3A_134 = arith.constant dense<2147483647> : vector<128xi32>
    %reduce_min3A_135 = vector.multi_reduction <minsi>, %select_n3A_133, %reduce_min3A_134 [1] : vector<128x8192xi32> to vector<128xi32>
    %broadcast_in_dim3A_136 = vector.shape_cast %reduce_min3A_135 : vector<128xi32> to vector<128x1xi32>
    %eq3A_137 = vector.broadcast %broadcast_in_dim3A_136 : vector<128x1xi32> to vector<128x8192xi32>
    %eq3A_138 = arith.cmpi eq, %iota3A, %eq3A_137 : vector<128x8192xi32>
    %jit3A_139 = arith.constant 0x7F800000 : f32
    %broadcast_in_dim3A_140 = vector.broadcast %jit3A_139 : f32 to vector<128x8192xf32>
    %select_n3A_141 = arith.select %eq3A_138, %broadcast_in_dim3A_140, %select_n3A_125 : vector<128x8192xi1>, vector<128x8192xf32>
    %reduce_min3A_142 = arith.constant dense<0x7F800000> : vector<128xf32>
    %reduce_min3A_143 = vector.multi_reduction <minimumf>, %select_n3A_141, %reduce_min3A_142 [1] : vector<128x8192xf32> to vector<128xf32>
    %broadcast_in_dim3A_144 = vector.shape_cast %reduce_min3A_143 : vector<128xf32> to vector<128x1xf32>
    %eq3A_145 = vector.broadcast %broadcast_in_dim3A_144 : vector<128x1xf32> to vector<128x8192xf32>
    %eq3A_146 = arith.cmpf oeq, %select_n3A_141, %eq3A_145 : vector<128x8192xf32>
    %jit3A_147 = arith.constant 8192 : i32
    %broadcast_in_dim3A_148 = vector.broadcast %jit3A_147 : i32 to vector<128x8192xi32>
    %select_n3A_149 = arith.select %eq3A_146, %iota3A, %broadcast_in_dim3A_148 : vector<128x8192xi1>, vector<128x8192xi32>
    %reduce_min3A_150 = arith.constant dense<2147483647> : vector<128xi32>
    %reduce_min3A_151 = vector.multi_reduction <minsi>, %select_n3A_149, %reduce_min3A_150 [1] : vector<128x8192xi32> to vector<128xi32>
    %broadcast_in_dim3A_152 = vector.shape_cast %reduce_min3A_151 : vector<128xi32> to vector<128x1xi32>
    %eq3A_153 = vector.broadcast %broadcast_in_dim3A_152 : vector<128x1xi32> to vector<128x8192xi32>
    %eq3A_154 = arith.cmpi eq, %iota3A, %eq3A_153 : vector<128x8192xi32>
    %jit3A_155 = arith.constant 0x7F800000 : f32
    %broadcast_in_dim3A_156 = vector.broadcast %jit3A_155 : f32 to vector<128x8192xf32>
    %select_n3A_157 = arith.select %eq3A_154, %broadcast_in_dim3A_156, %select_n3A_141 : vector<128x8192xi1>, vector<128x8192xf32>
    %reduce_min3A_158 = arith.constant dense<0x7F800000> : vector<128xf32>
    %reduce_min3A_159 = vector.multi_reduction <minimumf>, %select_n3A_157, %reduce_min3A_158 [1] : vector<128x8192xf32> to vector<128xf32>
    %broadcast_in_dim3A_160 = vector.shape_cast %reduce_min3A_159 : vector<128xf32> to vector<128x1xf32>
    %eq3A_161 = vector.broadcast %broadcast_in_dim3A_160 : vector<128x1xf32> to vector<128x8192xf32>
    %eq3A_162 = arith.cmpf oeq, %select_n3A_157, %eq3A_161 : vector<128x8192xf32>
    %jit3A_163 = arith.constant 8192 : i32
    %broadcast_in_dim3A_164 = vector.broadcast %jit3A_163 : i32 to vector<128x8192xi32>
    %select_n3A_165 = arith.select %eq3A_162, %iota3A, %broadcast_in_dim3A_164 : vector<128x8192xi1>, vector<128x8192xi32>
    %reduce_min3A_166 = arith.constant dense<2147483647> : vector<128xi32>
    %reduce_min3A_167 = vector.multi_reduction <minsi>, %select_n3A_165, %reduce_min3A_166 [1] : vector<128x8192xi32> to vector<128xi32>
    %broadcast_in_dim3A_168 = vector.shape_cast %reduce_min3A_167 : vector<128xi32> to vector<128x1xi32>
    %eq3A_169 = vector.broadcast %broadcast_in_dim3A_168 : vector<128x1xi32> to vector<128x8192xi32>
    %eq3A_170 = arith.cmpi eq, %iota3A, %eq3A_169 : vector<128x8192xi32>
    %jit3A_171 = arith.constant 0x7F800000 : f32
    %broadcast_in_dim3A_172 = vector.broadcast %jit3A_171 : f32 to vector<128x8192xf32>
    %select_n3A_173 = arith.select %eq3A_170, %broadcast_in_dim3A_172, %select_n3A_157 : vector<128x8192xi1>, vector<128x8192xf32>
    %reduce_min3A_174 = arith.constant dense<0x7F800000> : vector<128xf32>
    %reduce_min3A_175 = vector.multi_reduction <minimumf>, %select_n3A_173, %reduce_min3A_174 [1] : vector<128x8192xf32> to vector<128xf32>
    %broadcast_in_dim3A_176 = vector.shape_cast %reduce_min3A_175 : vector<128xf32> to vector<128x1xf32>
    %eq3A_177 = vector.broadcast %broadcast_in_dim3A_176 : vector<128x1xf32> to vector<128x8192xf32>
    %eq3A_178 = arith.cmpf oeq, %select_n3A_173, %eq3A_177 : vector<128x8192xf32>
    %jit3A_179 = arith.constant 8192 : i32
    %broadcast_in_dim3A_180 = vector.broadcast %jit3A_179 : i32 to vector<128x8192xi32>
    %select_n3A_181 = arith.select %eq3A_178, %iota3A, %broadcast_in_dim3A_180 : vector<128x8192xi1>, vector<128x8192xi32>
    %reduce_min3A_182 = arith.constant dense<2147483647> : vector<128xi32>
    %reduce_min3A_183 = vector.multi_reduction <minsi>, %select_n3A_181, %reduce_min3A_182 [1] : vector<128x8192xi32> to vector<128xi32>
    %broadcast_in_dim3A_184 = vector.shape_cast %reduce_min3A_183 : vector<128xi32> to vector<128x1xi32>
    %eq3A_185 = vector.broadcast %broadcast_in_dim3A_184 : vector<128x1xi32> to vector<128x8192xi32>
    %eq3A_186 = arith.cmpi eq, %iota3A, %eq3A_185 : vector<128x8192xi32>
    %jit3A_187 = arith.constant 0x7F800000 : f32
    %broadcast_in_dim3A_188 = vector.broadcast %jit3A_187 : f32 to vector<128x8192xf32>
    %select_n3A_189 = arith.select %eq3A_186, %broadcast_in_dim3A_188, %select_n3A_173 : vector<128x8192xi1>, vector<128x8192xf32>
    %reduce_min3A_190 = arith.constant dense<0x7F800000> : vector<128xf32>
    %reduce_min3A_191 = vector.multi_reduction <minimumf>, %select_n3A_189, %reduce_min3A_190 [1] : vector<128x8192xf32> to vector<128xf32>
    %broadcast_in_dim3A_192 = vector.shape_cast %reduce_min3A_191 : vector<128xf32> to vector<128x1xf32>
    %eq3A_193 = vector.broadcast %broadcast_in_dim3A_192 : vector<128x1xf32> to vector<128x8192xf32>
    %eq3A_194 = arith.cmpf oeq, %select_n3A_189, %eq3A_193 : vector<128x8192xf32>
    %jit3A_195 = arith.constant 8192 : i32
    %broadcast_in_dim3A_196 = vector.broadcast %jit3A_195 : i32 to vector<128x8192xi32>
    %select_n3A_197 = arith.select %eq3A_194, %iota3A, %broadcast_in_dim3A_196 : vector<128x8192xi1>, vector<128x8192xi32>
    %reduce_min3A_198 = arith.constant dense<2147483647> : vector<128xi32>
    %reduce_min3A_199 = vector.multi_reduction <minsi>, %select_n3A_197, %reduce_min3A_198 [1] : vector<128x8192xi32> to vector<128xi32>
    %broadcast_in_dim3A_200 = vector.shape_cast %reduce_min3A_199 : vector<128xi32> to vector<128x1xi32>
    %eq3A_201 = vector.broadcast %broadcast_in_dim3A_200 : vector<128x1xi32> to vector<128x8192xi32>
    %eq3A_202 = arith.cmpi eq, %iota3A, %eq3A_201 : vector<128x8192xi32>
    %jit3A_203 = arith.constant 0x7F800000 : f32
    %broadcast_in_dim3A_204 = vector.broadcast %jit3A_203 : f32 to vector<128x8192xf32>
    %select_n3A_205 = arith.select %eq3A_202, %broadcast_in_dim3A_204, %select_n3A_189 : vector<128x8192xi1>, vector<128x8192xf32>
    %reduce_min3A_206 = arith.constant dense<0x7F800000> : vector<128xf32>
    %reduce_min3A_207 = vector.multi_reduction <minimumf>, %select_n3A_205, %reduce_min3A_206 [1] : vector<128x8192xf32> to vector<128xf32>
    %broadcast_in_dim3A_208 = vector.shape_cast %reduce_min3A_207 : vector<128xf32> to vector<128x1xf32>
    %eq3A_209 = vector.broadcast %broadcast_in_dim3A_208 : vector<128x1xf32> to vector<128x8192xf32>
    %eq3A_210 = arith.cmpf oeq, %select_n3A_205, %eq3A_209 : vector<128x8192xf32>
    %jit3A_211 = arith.constant 8192 : i32
    %broadcast_in_dim3A_212 = vector.broadcast %jit3A_211 : i32 to vector<128x8192xi32>
    %select_n3A_213 = arith.select %eq3A_210, %iota3A, %broadcast_in_dim3A_212 : vector<128x8192xi1>, vector<128x8192xi32>
    %reduce_min3A_214 = arith.constant dense<2147483647> : vector<128xi32>
    %reduce_min3A_215 = vector.multi_reduction <minsi>, %select_n3A_213, %reduce_min3A_214 [1] : vector<128x8192xi32> to vector<128xi32>
    %broadcast_in_dim3A_216 = vector.shape_cast %reduce_min3A_215 : vector<128xi32> to vector<128x1xi32>
    %eq3A_217 = vector.broadcast %broadcast_in_dim3A_216 : vector<128x1xi32> to vector<128x8192xi32>
    %eq3A_218 = arith.cmpi eq, %iota3A, %eq3A_217 : vector<128x8192xi32>
    %jit3A_219 = arith.constant 0x7F800000 : f32
    %broadcast_in_dim3A_220 = vector.broadcast %jit3A_219 : f32 to vector<128x8192xf32>
    %select_n3A_221 = arith.select %eq3A_218, %broadcast_in_dim3A_220, %select_n3A_205 : vector<128x8192xi1>, vector<128x8192xf32>
    %reduce_min3A_222 = arith.constant dense<0x7F800000> : vector<128xf32>
    %reduce_min3A_223 = vector.multi_reduction <minimumf>, %select_n3A_221, %reduce_min3A_222 [1] : vector<128x8192xf32> to vector<128xf32>
    %broadcast_in_dim3A_224 = vector.shape_cast %reduce_min3A_223 : vector<128xf32> to vector<128x1xf32>
    %eq3A_225 = vector.broadcast %broadcast_in_dim3A_224 : vector<128x1xf32> to vector<128x8192xf32>
    %eq3A_226 = arith.cmpf oeq, %select_n3A_221, %eq3A_225 : vector<128x8192xf32>
    %jit3A_227 = arith.constant 8192 : i32
    %broadcast_in_dim3A_228 = vector.broadcast %jit3A_227 : i32 to vector<128x8192xi32>
    %select_n3A_229 = arith.select %eq3A_226, %iota3A, %broadcast_in_dim3A_228 : vector<128x8192xi1>, vector<128x8192xi32>
    %reduce_min3A_230 = arith.constant dense<2147483647> : vector<128xi32>
    %reduce_min3A_231 = vector.multi_reduction <minsi>, %select_n3A_229, %reduce_min3A_230 [1] : vector<128x8192xi32> to vector<128xi32>
    %broadcast_in_dim3A_232 = vector.shape_cast %reduce_min3A_231 : vector<128xi32> to vector<128x1xi32>
    %eq3A_233 = vector.broadcast %broadcast_in_dim3A_232 : vector<128x1xi32> to vector<128x8192xi32>
    %eq3A_234 = arith.cmpi eq, %iota3A, %eq3A_233 : vector<128x8192xi32>
    %jit3A_235 = arith.constant 0x7F800000 : f32
    %broadcast_in_dim3A_236 = vector.broadcast %jit3A_235 : f32 to vector<128x8192xf32>
    %select_n3A_237 = arith.select %eq3A_234, %broadcast_in_dim3A_236, %select_n3A_221 : vector<128x8192xi1>, vector<128x8192xf32>
    %reduce_min3A_238 = arith.constant dense<0x7F800000> : vector<128xf32>
    %reduce_min3A_239 = vector.multi_reduction <minimumf>, %select_n3A_237, %reduce_min3A_238 [1] : vector<128x8192xf32> to vector<128xf32>
    %broadcast_in_dim3A_240 = vector.shape_cast %reduce_min3A_239 : vector<128xf32> to vector<128x1xf32>
    %eq3A_241 = vector.broadcast %broadcast_in_dim3A_240 : vector<128x1xf32> to vector<128x8192xf32>
    %eq3A_242 = arith.cmpf oeq, %select_n3A_237, %eq3A_241 : vector<128x8192xf32>
    %jit3A_243 = arith.constant 8192 : i32
    %broadcast_in_dim3A_244 = vector.broadcast %jit3A_243 : i32 to vector<128x8192xi32>
    %select_n3A_245 = arith.select %eq3A_242, %iota3A, %broadcast_in_dim3A_244 : vector<128x8192xi1>, vector<128x8192xi32>
    %reduce_min3A_246 = arith.constant dense<2147483647> : vector<128xi32>
    %reduce_min3A_247 = vector.multi_reduction <minsi>, %select_n3A_245, %reduce_min3A_246 [1] : vector<128x8192xi32> to vector<128xi32>
    %broadcast_in_dim3A_248 = vector.shape_cast %reduce_min3A_247 : vector<128xi32> to vector<128x1xi32>
    %eq3A_249 = vector.broadcast %broadcast_in_dim3A_248 : vector<128x1xi32> to vector<128x8192xi32>
    %eq3A_250 = arith.cmpi eq, %iota3A, %eq3A_249 : vector<128x8192xi32>
    %jit3A_251 = arith.constant 0x7F800000 : f32
    %broadcast_in_dim3A_252 = vector.broadcast %jit3A_251 : f32 to vector<128x8192xf32>
    %select_n3A_253 = arith.select %eq3A_250, %broadcast_in_dim3A_252, %select_n3A_237 : vector<128x8192xi1>, vector<128x8192xf32>
    %reduce_min3A_254 = arith.constant dense<0x7F800000> : vector<128xf32>
    %reduce_min3A_255 = vector.multi_reduction <minimumf>, %select_n3A_253, %reduce_min3A_254 [1] : vector<128x8192xf32> to vector<128xf32>
    %broadcast_in_dim3A_256 = vector.shape_cast %reduce_min3A_255 : vector<128xf32> to vector<128x1xf32>
    %eq3A_257 = vector.broadcast %broadcast_in_dim3A_256 : vector<128x1xf32> to vector<128x8192xf32>
    %eq3A_258 = arith.cmpf oeq, %select_n3A_253, %eq3A_257 : vector<128x8192xf32>
    %jit3A_259 = arith.constant 8192 : i32
    %broadcast_in_dim3A_260 = vector.broadcast %jit3A_259 : i32 to vector<128x8192xi32>
    %select_n3A_261 = arith.select %eq3A_258, %iota3A, %broadcast_in_dim3A_260 : vector<128x8192xi1>, vector<128x8192xi32>
    %reduce_min3A_262 = arith.constant dense<2147483647> : vector<128xi32>
    %reduce_min3A_263 = vector.multi_reduction <minsi>, %select_n3A_261, %reduce_min3A_262 [1] : vector<128x8192xi32> to vector<128xi32>
    %broadcast_in_dim3A_264 = vector.shape_cast %reduce_min3A_263 : vector<128xi32> to vector<128x1xi32>
    %eq3A_265 = vector.broadcast %broadcast_in_dim3A_264 : vector<128x1xi32> to vector<128x8192xi32>
    %eq3A_266 = arith.cmpi eq, %iota3A, %eq3A_265 : vector<128x8192xi32>
    %jit3A_267 = arith.constant 0x7F800000 : f32
    %broadcast_in_dim3A_268 = vector.broadcast %jit3A_267 : f32 to vector<128x8192xf32>
    %select_n3A_269 = arith.select %eq3A_266, %broadcast_in_dim3A_268, %select_n3A_253 : vector<128x8192xi1>, vector<128x8192xf32>
    %reduce_min3A_270 = arith.constant dense<0x7F800000> : vector<128xf32>
    %reduce_min3A_271 = vector.multi_reduction <minimumf>, %select_n3A_269, %reduce_min3A_270 [1] : vector<128x8192xf32> to vector<128xf32>
    %broadcast_in_dim3A_272 = vector.shape_cast %reduce_min3A_271 : vector<128xf32> to vector<128x1xf32>
    %eq3A_273 = vector.broadcast %broadcast_in_dim3A_272 : vector<128x1xf32> to vector<128x8192xf32>
    %eq3A_274 = arith.cmpf oeq, %select_n3A_269, %eq3A_273 : vector<128x8192xf32>
    %jit3A_275 = arith.constant 8192 : i32
    %broadcast_in_dim3A_276 = vector.broadcast %jit3A_275 : i32 to vector<128x8192xi32>
    %select_n3A_277 = arith.select %eq3A_274, %iota3A, %broadcast_in_dim3A_276 : vector<128x8192xi1>, vector<128x8192xi32>
    %reduce_min3A_278 = arith.constant dense<2147483647> : vector<128xi32>
    %reduce_min3A_279 = vector.multi_reduction <minsi>, %select_n3A_277, %reduce_min3A_278 [1] : vector<128x8192xi32> to vector<128xi32>
    %broadcast_in_dim3A_280 = vector.shape_cast %reduce_min3A_279 : vector<128xi32> to vector<128x1xi32>
    %eq3A_281 = vector.broadcast %broadcast_in_dim3A_280 : vector<128x1xi32> to vector<128x8192xi32>
    %eq3A_282 = arith.cmpi eq, %iota3A, %eq3A_281 : vector<128x8192xi32>
    %jit3A_283 = arith.constant 0x7F800000 : f32
    %broadcast_in_dim3A_284 = vector.broadcast %jit3A_283 : f32 to vector<128x8192xf32>
    %select_n3A_285 = arith.select %eq3A_282, %broadcast_in_dim3A_284, %select_n3A_269 : vector<128x8192xi1>, vector<128x8192xf32>
    %reduce_min3A_286 = arith.constant dense<0x7F800000> : vector<128xf32>
    %reduce_min3A_287 = vector.multi_reduction <minimumf>, %select_n3A_285, %reduce_min3A_286 [1] : vector<128x8192xf32> to vector<128xf32>
    %broadcast_in_dim3A_288 = vector.shape_cast %reduce_min3A_287 : vector<128xf32> to vector<128x1xf32>
    %eq3A_289 = vector.broadcast %broadcast_in_dim3A_288 : vector<128x1xf32> to vector<128x8192xf32>
    %eq3A_290 = arith.cmpf oeq, %select_n3A_285, %eq3A_289 : vector<128x8192xf32>
    %jit3A_291 = arith.constant 8192 : i32
    %broadcast_in_dim3A_292 = vector.broadcast %jit3A_291 : i32 to vector<128x8192xi32>
    %select_n3A_293 = arith.select %eq3A_290, %iota3A, %broadcast_in_dim3A_292 : vector<128x8192xi1>, vector<128x8192xi32>
    %reduce_min3A_294 = arith.constant dense<2147483647> : vector<128xi32>
    %reduce_min3A_295 = vector.multi_reduction <minsi>, %select_n3A_293, %reduce_min3A_294 [1] : vector<128x8192xi32> to vector<128xi32>
    %broadcast_in_dim3A_296 = vector.shape_cast %reduce_min3A_295 : vector<128xi32> to vector<128x1xi32>
    %eq3A_297 = vector.broadcast %broadcast_in_dim3A_296 : vector<128x1xi32> to vector<128x8192xi32>
    %eq3A_298 = arith.cmpi eq, %iota3A, %eq3A_297 : vector<128x8192xi32>
    %jit3A_299 = arith.constant 0x7F800000 : f32
    %broadcast_in_dim3A_300 = vector.broadcast %jit3A_299 : f32 to vector<128x8192xf32>
    %select_n3A_301 = arith.select %eq3A_298, %broadcast_in_dim3A_300, %select_n3A_285 : vector<128x8192xi1>, vector<128x8192xf32>
    %reduce_min3A_302 = arith.constant dense<0x7F800000> : vector<128xf32>
    %reduce_min3A_303 = vector.multi_reduction <minimumf>, %select_n3A_301, %reduce_min3A_302 [1] : vector<128x8192xf32> to vector<128xf32>
    %broadcast_in_dim3A_304 = vector.shape_cast %reduce_min3A_303 : vector<128xf32> to vector<128x1xf32>
    %eq3A_305 = vector.broadcast %broadcast_in_dim3A_304 : vector<128x1xf32> to vector<128x8192xf32>
    %eq3A_306 = arith.cmpf oeq, %select_n3A_301, %eq3A_305 : vector<128x8192xf32>
    %jit3A_307 = arith.constant 8192 : i32
    %broadcast_in_dim3A_308 = vector.broadcast %jit3A_307 : i32 to vector<128x8192xi32>
    %select_n3A_309 = arith.select %eq3A_306, %iota3A, %broadcast_in_dim3A_308 : vector<128x8192xi1>, vector<128x8192xi32>
    %reduce_min3A_310 = arith.constant dense<2147483647> : vector<128xi32>
    %reduce_min3A_311 = vector.multi_reduction <minsi>, %select_n3A_309, %reduce_min3A_310 [1] : vector<128x8192xi32> to vector<128xi32>
    %broadcast_in_dim3A_312 = vector.shape_cast %reduce_min3A_311 : vector<128xi32> to vector<128x1xi32>
    %eq3A_313 = vector.broadcast %broadcast_in_dim3A_312 : vector<128x1xi32> to vector<128x8192xi32>
    %eq3A_314 = arith.cmpi eq, %iota3A, %eq3A_313 : vector<128x8192xi32>
    %jit3A_315 = arith.constant 0x7F800000 : f32
    %broadcast_in_dim3A_316 = vector.broadcast %jit3A_315 : f32 to vector<128x8192xf32>
    %select_n3A_317 = arith.select %eq3A_314, %broadcast_in_dim3A_316, %select_n3A_301 : vector<128x8192xi1>, vector<128x8192xf32>
    %reduce_min3A_318 = arith.constant dense<0x7F800000> : vector<128xf32>
    %reduce_min3A_319 = vector.multi_reduction <minimumf>, %select_n3A_317, %reduce_min3A_318 [1] : vector<128x8192xf32> to vector<128xf32>
    %broadcast_in_dim3A_320 = vector.shape_cast %reduce_min3A_319 : vector<128xf32> to vector<128x1xf32>
    %eq3A_321 = vector.broadcast %broadcast_in_dim3A_320 : vector<128x1xf32> to vector<128x8192xf32>
    %eq3A_322 = arith.cmpf oeq, %select_n3A_317, %eq3A_321 : vector<128x8192xf32>
    %jit3A_323 = arith.constant 8192 : i32
    %broadcast_in_dim3A_324 = vector.broadcast %jit3A_323 : i32 to vector<128x8192xi32>
    %select_n3A_325 = arith.select %eq3A_322, %iota3A, %broadcast_in_dim3A_324 : vector<128x8192xi1>, vector<128x8192xi32>
    %reduce_min3A_326 = arith.constant dense<2147483647> : vector<128xi32>
    %reduce_min3A_327 = vector.multi_reduction <minsi>, %select_n3A_325, %reduce_min3A_326 [1] : vector<128x8192xi32> to vector<128xi32>
    %broadcast_in_dim3A_328 = vector.shape_cast %reduce_min3A_327 : vector<128xi32> to vector<128x1xi32>
    %eq3A_329 = vector.broadcast %broadcast_in_dim3A_328 : vector<128x1xi32> to vector<128x8192xi32>
    %eq3A_330 = arith.cmpi eq, %iota3A, %eq3A_329 : vector<128x8192xi32>
    %jit3A_331 = arith.constant 0x7F800000 : f32
    %broadcast_in_dim3A_332 = vector.broadcast %jit3A_331 : f32 to vector<128x8192xf32>
    %select_n3A_333 = arith.select %eq3A_330, %broadcast_in_dim3A_332, %select_n3A_317 : vector<128x8192xi1>, vector<128x8192xf32>
    %reduce_min3A_334 = arith.constant dense<0x7F800000> : vector<128xf32>
    %reduce_min3A_335 = vector.multi_reduction <minimumf>, %select_n3A_333, %reduce_min3A_334 [1] : vector<128x8192xf32> to vector<128xf32>
    %broadcast_in_dim3A_336 = vector.shape_cast %reduce_min3A_335 : vector<128xf32> to vector<128x1xf32>
    %eq3A_337 = vector.broadcast %broadcast_in_dim3A_336 : vector<128x1xf32> to vector<128x8192xf32>
    %eq3A_338 = arith.cmpf oeq, %select_n3A_333, %eq3A_337 : vector<128x8192xf32>
    %jit3A_339 = arith.constant 8192 : i32
    %broadcast_in_dim3A_340 = vector.broadcast %jit3A_339 : i32 to vector<128x8192xi32>
    %select_n3A_341 = arith.select %eq3A_338, %iota3A, %broadcast_in_dim3A_340 : vector<128x8192xi1>, vector<128x8192xi32>
    %reduce_min3A_342 = arith.constant dense<2147483647> : vector<128xi32>
    %reduce_min3A_343 = vector.multi_reduction <minsi>, %select_n3A_341, %reduce_min3A_342 [1] : vector<128x8192xi32> to vector<128xi32>
    %broadcast_in_dim3A_344 = vector.shape_cast %reduce_min3A_343 : vector<128xi32> to vector<128x1xi32>
    %eq3A_345 = vector.broadcast %broadcast_in_dim3A_344 : vector<128x1xi32> to vector<128x8192xi32>
    %eq3A_346 = arith.cmpi eq, %iota3A, %eq3A_345 : vector<128x8192xi32>
    %jit3A_347 = arith.constant 0x7F800000 : f32
    %broadcast_in_dim3A_348 = vector.broadcast %jit3A_347 : f32 to vector<128x8192xf32>
    %select_n3A_349 = arith.select %eq3A_346, %broadcast_in_dim3A_348, %select_n3A_333 : vector<128x8192xi1>, vector<128x8192xf32>
    %reduce_min3A_350 = arith.constant dense<0x7F800000> : vector<128xf32>
    %reduce_min3A_351 = vector.multi_reduction <minimumf>, %select_n3A_349, %reduce_min3A_350 [1] : vector<128x8192xf32> to vector<128xf32>
    %broadcast_in_dim3A_352 = vector.shape_cast %reduce_min3A_351 : vector<128xf32> to vector<128x1xf32>
    %eq3A_353 = vector.broadcast %broadcast_in_dim3A_352 : vector<128x1xf32> to vector<128x8192xf32>
    %eq3A_354 = arith.cmpf oeq, %select_n3A_349, %eq3A_353 : vector<128x8192xf32>
    %jit3A_355 = arith.constant 8192 : i32
    %broadcast_in_dim3A_356 = vector.broadcast %jit3A_355 : i32 to vector<128x8192xi32>
    %select_n3A_357 = arith.select %eq3A_354, %iota3A, %broadcast_in_dim3A_356 : vector<128x8192xi1>, vector<128x8192xi32>
    %reduce_min3A_358 = arith.constant dense<2147483647> : vector<128xi32>
    %reduce_min3A_359 = vector.multi_reduction <minsi>, %select_n3A_357, %reduce_min3A_358 [1] : vector<128x8192xi32> to vector<128xi32>
    %broadcast_in_dim3A_360 = vector.shape_cast %reduce_min3A_359 : vector<128xi32> to vector<128x1xi32>
    %eq3A_361 = vector.broadcast %broadcast_in_dim3A_360 : vector<128x1xi32> to vector<128x8192xi32>
    %eq3A_362 = arith.cmpi eq, %iota3A, %eq3A_361 : vector<128x8192xi32>
    %jit3A_363 = arith.constant 0x7F800000 : f32
    %broadcast_in_dim3A_364 = vector.broadcast %jit3A_363 : f32 to vector<128x8192xf32>
    %select_n3A_365 = arith.select %eq3A_362, %broadcast_in_dim3A_364, %select_n3A_349 : vector<128x8192xi1>, vector<128x8192xf32>
    %reduce_min3A_366 = arith.constant dense<0x7F800000> : vector<128xf32>
    %reduce_min3A_367 = vector.multi_reduction <minimumf>, %select_n3A_365, %reduce_min3A_366 [1] : vector<128x8192xf32> to vector<128xf32>
    %broadcast_in_dim3A_368 = vector.shape_cast %reduce_min3A_367 : vector<128xf32> to vector<128x1xf32>
    %eq3A_369 = vector.broadcast %broadcast_in_dim3A_368 : vector<128x1xf32> to vector<128x8192xf32>
    %eq3A_370 = arith.cmpf oeq, %select_n3A_365, %eq3A_369 : vector<128x8192xf32>
    %jit3A_371 = arith.constant 8192 : i32
    %broadcast_in_dim3A_372 = vector.broadcast %jit3A_371 : i32 to vector<128x8192xi32>
    %select_n3A_373 = arith.select %eq3A_370, %iota3A, %broadcast_in_dim3A_372 : vector<128x8192xi1>, vector<128x8192xi32>
    %reduce_min3A_374 = arith.constant dense<2147483647> : vector<128xi32>
    %reduce_min3A_375 = vector.multi_reduction <minsi>, %select_n3A_373, %reduce_min3A_374 [1] : vector<128x8192xi32> to vector<128xi32>
    %broadcast_in_dim3A_376 = vector.shape_cast %reduce_min3A_375 : vector<128xi32> to vector<128x1xi32>
    %eq3A_377 = vector.broadcast %broadcast_in_dim3A_376 : vector<128x1xi32> to vector<128x8192xi32>
    %eq3A_378 = arith.cmpi eq, %iota3A, %eq3A_377 : vector<128x8192xi32>
    %jit3A_379 = arith.constant 0x7F800000 : f32
    %broadcast_in_dim3A_380 = vector.broadcast %jit3A_379 : f32 to vector<128x8192xf32>
    %select_n3A_381 = arith.select %eq3A_378, %broadcast_in_dim3A_380, %select_n3A_365 : vector<128x8192xi1>, vector<128x8192xf32>
    %reduce_min3A_382 = arith.constant dense<0x7F800000> : vector<128xf32>
    %reduce_min3A_383 = vector.multi_reduction <minimumf>, %select_n3A_381, %reduce_min3A_382 [1] : vector<128x8192xf32> to vector<128xf32>
    %broadcast_in_dim3A_384 = vector.shape_cast %reduce_min3A_383 : vector<128xf32> to vector<128x1xf32>
    %eq3A_385 = vector.broadcast %broadcast_in_dim3A_384 : vector<128x1xf32> to vector<128x8192xf32>
    %eq3A_386 = arith.cmpf oeq, %select_n3A_381, %eq3A_385 : vector<128x8192xf32>
    %jit3A_387 = arith.constant 8192 : i32
    %broadcast_in_dim3A_388 = vector.broadcast %jit3A_387 : i32 to vector<128x8192xi32>
    %select_n3A_389 = arith.select %eq3A_386, %iota3A, %broadcast_in_dim3A_388 : vector<128x8192xi1>, vector<128x8192xi32>
    %reduce_min3A_390 = arith.constant dense<2147483647> : vector<128xi32>
    %reduce_min3A_391 = vector.multi_reduction <minsi>, %select_n3A_389, %reduce_min3A_390 [1] : vector<128x8192xi32> to vector<128xi32>
    %broadcast_in_dim3A_392 = vector.shape_cast %reduce_min3A_391 : vector<128xi32> to vector<128x1xi32>
    %eq3A_393 = vector.broadcast %broadcast_in_dim3A_392 : vector<128x1xi32> to vector<128x8192xi32>
    %eq3A_394 = arith.cmpi eq, %iota3A, %eq3A_393 : vector<128x8192xi32>
    %jit3A_395 = arith.constant 0x7F800000 : f32
    %broadcast_in_dim3A_396 = vector.broadcast %jit3A_395 : f32 to vector<128x8192xf32>
    %select_n3A_397 = arith.select %eq3A_394, %broadcast_in_dim3A_396, %select_n3A_381 : vector<128x8192xi1>, vector<128x8192xf32>
    %reduce_min3A_398 = arith.constant dense<0x7F800000> : vector<128xf32>
    %reduce_min3A_399 = vector.multi_reduction <minimumf>, %select_n3A_397, %reduce_min3A_398 [1] : vector<128x8192xf32> to vector<128xf32>
    %broadcast_in_dim3A_400 = vector.shape_cast %reduce_min3A_399 : vector<128xf32> to vector<128x1xf32>
    %eq3A_401 = vector.broadcast %broadcast_in_dim3A_400 : vector<128x1xf32> to vector<128x8192xf32>
    %eq3A_402 = arith.cmpf oeq, %select_n3A_397, %eq3A_401 : vector<128x8192xf32>
    %jit3A_403 = arith.constant 8192 : i32
    %broadcast_in_dim3A_404 = vector.broadcast %jit3A_403 : i32 to vector<128x8192xi32>
    %select_n3A_405 = arith.select %eq3A_402, %iota3A, %broadcast_in_dim3A_404 : vector<128x8192xi1>, vector<128x8192xi32>
    %reduce_min3A_406 = arith.constant dense<2147483647> : vector<128xi32>
    %reduce_min3A_407 = vector.multi_reduction <minsi>, %select_n3A_405, %reduce_min3A_406 [1] : vector<128x8192xi32> to vector<128xi32>
    %broadcast_in_dim3A_408 = vector.shape_cast %reduce_min3A_407 : vector<128xi32> to vector<128x1xi32>
    %eq3A_409 = vector.broadcast %broadcast_in_dim3A_408 : vector<128x1xi32> to vector<128x8192xi32>
    %eq3A_410 = arith.cmpi eq, %iota3A, %eq3A_409 : vector<128x8192xi32>
    %jit3A_411 = arith.constant 0x7F800000 : f32
    %broadcast_in_dim3A_412 = vector.broadcast %jit3A_411 : f32 to vector<128x8192xf32>
    %select_n3A_413 = arith.select %eq3A_410, %broadcast_in_dim3A_412, %select_n3A_397 : vector<128x8192xi1>, vector<128x8192xf32>
    %reduce_min3A_414 = arith.constant dense<0x7F800000> : vector<128xf32>
    %reduce_min3A_415 = vector.multi_reduction <minimumf>, %select_n3A_413, %reduce_min3A_414 [1] : vector<128x8192xf32> to vector<128xf32>
    %broadcast_in_dim3A_416 = vector.shape_cast %reduce_min3A_415 : vector<128xf32> to vector<128x1xf32>
    %eq3A_417 = vector.broadcast %broadcast_in_dim3A_416 : vector<128x1xf32> to vector<128x8192xf32>
    %eq3A_418 = arith.cmpf oeq, %select_n3A_413, %eq3A_417 : vector<128x8192xf32>
    %jit3A_419 = arith.constant 8192 : i32
    %broadcast_in_dim3A_420 = vector.broadcast %jit3A_419 : i32 to vector<128x8192xi32>
    %select_n3A_421 = arith.select %eq3A_418, %iota3A, %broadcast_in_dim3A_420 : vector<128x8192xi1>, vector<128x8192xi32>
    %reduce_min3A_422 = arith.constant dense<2147483647> : vector<128xi32>
    %reduce_min3A_423 = vector.multi_reduction <minsi>, %select_n3A_421, %reduce_min3A_422 [1] : vector<128x8192xi32> to vector<128xi32>
    %broadcast_in_dim3A_424 = vector.shape_cast %reduce_min3A_423 : vector<128xi32> to vector<128x1xi32>
    %eq3A_425 = vector.broadcast %broadcast_in_dim3A_424 : vector<128x1xi32> to vector<128x8192xi32>
    %eq3A_426 = arith.cmpi eq, %iota3A, %eq3A_425 : vector<128x8192xi32>
    %jit3A_427 = arith.constant 0x7F800000 : f32
    %broadcast_in_dim3A_428 = vector.broadcast %jit3A_427 : f32 to vector<128x8192xf32>
    %select_n3A_429 = arith.select %eq3A_426, %broadcast_in_dim3A_428, %select_n3A_413 : vector<128x8192xi1>, vector<128x8192xf32>
    %reduce_min3A_430 = arith.constant dense<0x7F800000> : vector<128xf32>
    %reduce_min3A_431 = vector.multi_reduction <minimumf>, %select_n3A_429, %reduce_min3A_430 [1] : vector<128x8192xf32> to vector<128xf32>
    %broadcast_in_dim3A_432 = vector.shape_cast %reduce_min3A_431 : vector<128xf32> to vector<128x1xf32>
    %eq3A_433 = vector.broadcast %broadcast_in_dim3A_432 : vector<128x1xf32> to vector<128x8192xf32>
    %eq3A_434 = arith.cmpf oeq, %select_n3A_429, %eq3A_433 : vector<128x8192xf32>
    %jit3A_435 = arith.constant 8192 : i32
    %broadcast_in_dim3A_436 = vector.broadcast %jit3A_435 : i32 to vector<128x8192xi32>
    %select_n3A_437 = arith.select %eq3A_434, %iota3A, %broadcast_in_dim3A_436 : vector<128x8192xi1>, vector<128x8192xi32>
    %reduce_min3A_438 = arith.constant dense<2147483647> : vector<128xi32>
    %reduce_min3A_439 = vector.multi_reduction <minsi>, %select_n3A_437, %reduce_min3A_438 [1] : vector<128x8192xi32> to vector<128xi32>
    %broadcast_in_dim3A_440 = vector.shape_cast %reduce_min3A_439 : vector<128xi32> to vector<128x1xi32>
    %eq3A_441 = vector.broadcast %broadcast_in_dim3A_440 : vector<128x1xi32> to vector<128x8192xi32>
    %eq3A_442 = arith.cmpi eq, %iota3A, %eq3A_441 : vector<128x8192xi32>
    %jit3A_443 = arith.constant 0x7F800000 : f32
    %broadcast_in_dim3A_444 = vector.broadcast %jit3A_443 : f32 to vector<128x8192xf32>
    %select_n3A_445 = arith.select %eq3A_442, %broadcast_in_dim3A_444, %select_n3A_429 : vector<128x8192xi1>, vector<128x8192xf32>
    %reduce_min3A_446 = arith.constant dense<0x7F800000> : vector<128xf32>
    %reduce_min3A_447 = vector.multi_reduction <minimumf>, %select_n3A_445, %reduce_min3A_446 [1] : vector<128x8192xf32> to vector<128xf32>
    %broadcast_in_dim3A_448 = vector.shape_cast %reduce_min3A_447 : vector<128xf32> to vector<128x1xf32>
    %eq3A_449 = vector.broadcast %broadcast_in_dim3A_448 : vector<128x1xf32> to vector<128x8192xf32>
    %eq3A_450 = arith.cmpf oeq, %select_n3A_445, %eq3A_449 : vector<128x8192xf32>
    %jit3A_451 = arith.constant 8192 : i32
    %broadcast_in_dim3A_452 = vector.broadcast %jit3A_451 : i32 to vector<128x8192xi32>
    %select_n3A_453 = arith.select %eq3A_450, %iota3A, %broadcast_in_dim3A_452 : vector<128x8192xi1>, vector<128x8192xi32>
    %reduce_min3A_454 = arith.constant dense<2147483647> : vector<128xi32>
    %reduce_min3A_455 = vector.multi_reduction <minsi>, %select_n3A_453, %reduce_min3A_454 [1] : vector<128x8192xi32> to vector<128xi32>
    %broadcast_in_dim3A_456 = vector.shape_cast %reduce_min3A_455 : vector<128xi32> to vector<128x1xi32>
    %eq3A_457 = vector.broadcast %broadcast_in_dim3A_456 : vector<128x1xi32> to vector<128x8192xi32>
    %eq3A_458 = arith.cmpi eq, %iota3A, %eq3A_457 : vector<128x8192xi32>
    %jit3A_459 = arith.constant 0x7F800000 : f32
    %broadcast_in_dim3A_460 = vector.broadcast %jit3A_459 : f32 to vector<128x8192xf32>
    %select_n3A_461 = arith.select %eq3A_458, %broadcast_in_dim3A_460, %select_n3A_445 : vector<128x8192xi1>, vector<128x8192xf32>
    %reduce_min3A_462 = arith.constant dense<0x7F800000> : vector<128xf32>
    %reduce_min3A_463 = vector.multi_reduction <minimumf>, %select_n3A_461, %reduce_min3A_462 [1] : vector<128x8192xf32> to vector<128xf32>
    %broadcast_in_dim3A_464 = vector.shape_cast %reduce_min3A_463 : vector<128xf32> to vector<128x1xf32>
    %eq3A_465 = vector.broadcast %broadcast_in_dim3A_464 : vector<128x1xf32> to vector<128x8192xf32>
    %eq3A_466 = arith.cmpf oeq, %select_n3A_461, %eq3A_465 : vector<128x8192xf32>
    %jit3A_467 = arith.constant 8192 : i32
    %broadcast_in_dim3A_468 = vector.broadcast %jit3A_467 : i32 to vector<128x8192xi32>
    %select_n3A_469 = arith.select %eq3A_466, %iota3A, %broadcast_in_dim3A_468 : vector<128x8192xi1>, vector<128x8192xi32>
    %reduce_min3A_470 = arith.constant dense<2147483647> : vector<128xi32>
    %reduce_min3A_471 = vector.multi_reduction <minsi>, %select_n3A_469, %reduce_min3A_470 [1] : vector<128x8192xi32> to vector<128xi32>
    %broadcast_in_dim3A_472 = vector.shape_cast %reduce_min3A_471 : vector<128xi32> to vector<128x1xi32>
    %eq3A_473 = vector.broadcast %broadcast_in_dim3A_472 : vector<128x1xi32> to vector<128x8192xi32>
    %eq3A_474 = arith.cmpi eq, %iota3A, %eq3A_473 : vector<128x8192xi32>
    %jit3A_475 = arith.constant 0x7F800000 : f32
    %broadcast_in_dim3A_476 = vector.broadcast %jit3A_475 : f32 to vector<128x8192xf32>
    %select_n3A_477 = arith.select %eq3A_474, %broadcast_in_dim3A_476, %select_n3A_461 : vector<128x8192xi1>, vector<128x8192xf32>
    %reduce_min3A_478 = arith.constant dense<0x7F800000> : vector<128xf32>
    %reduce_min3A_479 = vector.multi_reduction <minimumf>, %select_n3A_477, %reduce_min3A_478 [1] : vector<128x8192xf32> to vector<128xf32>
    %broadcast_in_dim3A_480 = vector.shape_cast %reduce_min3A_479 : vector<128xf32> to vector<128x1xf32>
    %eq3A_481 = vector.broadcast %broadcast_in_dim3A_480 : vector<128x1xf32> to vector<128x8192xf32>
    %eq3A_482 = arith.cmpf oeq, %select_n3A_477, %eq3A_481 : vector<128x8192xf32>
    %jit3A_483 = arith.constant 8192 : i32
    %broadcast_in_dim3A_484 = vector.broadcast %jit3A_483 : i32 to vector<128x8192xi32>
    %select_n3A_485 = arith.select %eq3A_482, %iota3A, %broadcast_in_dim3A_484 : vector<128x8192xi1>, vector<128x8192xi32>
    %reduce_min3A_486 = arith.constant dense<2147483647> : vector<128xi32>
    %reduce_min3A_487 = vector.multi_reduction <minsi>, %select_n3A_485, %reduce_min3A_486 [1] : vector<128x8192xi32> to vector<128xi32>
    %broadcast_in_dim3A_488 = vector.shape_cast %reduce_min3A_487 : vector<128xi32> to vector<128x1xi32>
    %eq3A_489 = vector.broadcast %broadcast_in_dim3A_488 : vector<128x1xi32> to vector<128x8192xi32>
    %eq3A_490 = arith.cmpi eq, %iota3A, %eq3A_489 : vector<128x8192xi32>
    %jit3A_491 = arith.constant 0x7F800000 : f32
    %broadcast_in_dim3A_492 = vector.broadcast %jit3A_491 : f32 to vector<128x8192xf32>
    %select_n3A_493 = arith.select %eq3A_490, %broadcast_in_dim3A_492, %select_n3A_477 : vector<128x8192xi1>, vector<128x8192xf32>
    %reduce_min3A_494 = arith.constant dense<0x7F800000> : vector<128xf32>
    %reduce_min3A_495 = vector.multi_reduction <minimumf>, %select_n3A_493, %reduce_min3A_494 [1] : vector<128x8192xf32> to vector<128xf32>
    %broadcast_in_dim3A_496 = vector.shape_cast %reduce_min3A_495 : vector<128xf32> to vector<128x1xf32>
    %eq3A_497 = vector.broadcast %broadcast_in_dim3A_496 : vector<128x1xf32> to vector<128x8192xf32>
    %eq3A_498 = arith.cmpf oeq, %select_n3A_493, %eq3A_497 : vector<128x8192xf32>
    %jit3A_499 = arith.constant 8192 : i32
    %broadcast_in_dim3A_500 = vector.broadcast %jit3A_499 : i32 to vector<128x8192xi32>
    %select_n3A_501 = arith.select %eq3A_498, %iota3A, %broadcast_in_dim3A_500 : vector<128x8192xi1>, vector<128x8192xi32>
    %reduce_min3A_502 = arith.constant dense<2147483647> : vector<128xi32>
    %reduce_min3A_503 = vector.multi_reduction <minsi>, %select_n3A_501, %reduce_min3A_502 [1] : vector<128x8192xi32> to vector<128xi32>
    %broadcast_in_dim3A_504 = vector.shape_cast %reduce_min3A_503 : vector<128xi32> to vector<128x1xi32>
    %eq3A_505 = vector.broadcast %broadcast_in_dim3A_504 : vector<128x1xi32> to vector<128x8192xi32>
    %eq3A_506 = arith.cmpi eq, %iota3A, %eq3A_505 : vector<128x8192xi32>
    %jit3A_507 = arith.constant 0x7F800000 : f32
    %broadcast_in_dim3A_508 = vector.broadcast %jit3A_507 : f32 to vector<128x8192xf32>
    %select_n3A_509 = arith.select %eq3A_506, %broadcast_in_dim3A_508, %select_n3A_493 : vector<128x8192xi1>, vector<128x8192xf32>
    %reduce_min3A_510 = arith.constant dense<0x7F800000> : vector<128xf32>
    %reduce_min3A_511 = vector.multi_reduction <minimumf>, %select_n3A_509, %reduce_min3A_510 [1] : vector<128x8192xf32> to vector<128xf32>
    %broadcast_in_dim3A_512 = vector.shape_cast %reduce_min3A_511 : vector<128xf32> to vector<128x1xf32>
    %eq3A_513 = vector.broadcast %broadcast_in_dim3A_512 : vector<128x1xf32> to vector<128x8192xf32>
    %eq3A_514 = arith.cmpf oeq, %select_n3A_509, %eq3A_513 : vector<128x8192xf32>
    %jit3A_515 = arith.constant 8192 : i32
    %broadcast_in_dim3A_516 = vector.broadcast %jit3A_515 : i32 to vector<128x8192xi32>
    %select_n3A_517 = arith.select %eq3A_514, %iota3A, %broadcast_in_dim3A_516 : vector<128x8192xi1>, vector<128x8192xi32>
    %reduce_min3A_518 = arith.constant dense<2147483647> : vector<128xi32>
    %reduce_min3A_519 = vector.multi_reduction <minsi>, %select_n3A_517, %reduce_min3A_518 [1] : vector<128x8192xi32> to vector<128xi32>
    %broadcast_in_dim3A_520 = vector.shape_cast %reduce_min3A_519 : vector<128xi32> to vector<128x1xi32>
    %eq3A_521 = vector.broadcast %broadcast_in_dim3A_520 : vector<128x1xi32> to vector<128x8192xi32>
    %eq3A_522 = arith.cmpi eq, %iota3A, %eq3A_521 : vector<128x8192xi32>
    %jit3A_523 = arith.constant 0x7F800000 : f32
    %broadcast_in_dim3A_524 = vector.broadcast %jit3A_523 : f32 to vector<128x8192xf32>
    %select_n3A_525 = arith.select %eq3A_522, %broadcast_in_dim3A_524, %select_n3A_509 : vector<128x8192xi1>, vector<128x8192xf32>
    %reduce_min3A_526 = arith.constant dense<0x7F800000> : vector<128xf32>
    %reduce_min3A_527 = vector.multi_reduction <minimumf>, %select_n3A_525, %reduce_min3A_526 [1] : vector<128x8192xf32> to vector<128xf32>
    %broadcast_in_dim3A_528 = vector.shape_cast %reduce_min3A_527 : vector<128xf32> to vector<128x1xf32>
    %eq3A_529 = vector.broadcast %broadcast_in_dim3A_528 : vector<128x1xf32> to vector<128x8192xf32>
    %eq3A_530 = arith.cmpf oeq, %select_n3A_525, %eq3A_529 : vector<128x8192xf32>
    %jit3A_531 = arith.constant 8192 : i32
    %broadcast_in_dim3A_532 = vector.broadcast %jit3A_531 : i32 to vector<128x8192xi32>
    %select_n3A_533 = arith.select %eq3A_530, %iota3A, %broadcast_in_dim3A_532 : vector<128x8192xi1>, vector<128x8192xi32>
    %reduce_min3A_534 = arith.constant dense<2147483647> : vector<128xi32>
    %reduce_min3A_535 = vector.multi_reduction <minsi>, %select_n3A_533, %reduce_min3A_534 [1] : vector<128x8192xi32> to vector<128xi32>
    %broadcast_in_dim3A_536 = vector.shape_cast %reduce_min3A_535 : vector<128xi32> to vector<128x1xi32>
    %eq3A_537 = vector.broadcast %broadcast_in_dim3A_536 : vector<128x1xi32> to vector<128x8192xi32>
    %eq3A_538 = arith.cmpi eq, %iota3A, %eq3A_537 : vector<128x8192xi32>
    %jit3A_539 = arith.constant 0x7F800000 : f32
    %broadcast_in_dim3A_540 = vector.broadcast %jit3A_539 : f32 to vector<128x8192xf32>
    %select_n3A_541 = arith.select %eq3A_538, %broadcast_in_dim3A_540, %select_n3A_525 : vector<128x8192xi1>, vector<128x8192xf32>
    %reduce_min3A_542 = arith.constant dense<0x7F800000> : vector<128xf32>
    %reduce_min3A_543 = vector.multi_reduction <minimumf>, %select_n3A_541, %reduce_min3A_542 [1] : vector<128x8192xf32> to vector<128xf32>
    %broadcast_in_dim3A_544 = vector.shape_cast %reduce_min3A_543 : vector<128xf32> to vector<128x1xf32>
    %eq3A_545 = vector.broadcast %broadcast_in_dim3A_544 : vector<128x1xf32> to vector<128x8192xf32>
    %eq3A_546 = arith.cmpf oeq, %select_n3A_541, %eq3A_545 : vector<128x8192xf32>
    %jit3A_547 = arith.constant 8192 : i32
    %broadcast_in_dim3A_548 = vector.broadcast %jit3A_547 : i32 to vector<128x8192xi32>
    %select_n3A_549 = arith.select %eq3A_546, %iota3A, %broadcast_in_dim3A_548 : vector<128x8192xi1>, vector<128x8192xi32>
    %reduce_min3A_550 = arith.constant dense<2147483647> : vector<128xi32>
    %reduce_min3A_551 = vector.multi_reduction <minsi>, %select_n3A_549, %reduce_min3A_550 [1] : vector<128x8192xi32> to vector<128xi32>
    %broadcast_in_dim3A_552 = vector.shape_cast %reduce_min3A_551 : vector<128xi32> to vector<128x1xi32>
    %concatenate3A = tpu.concatenate %broadcast_in_dim3A_56, %broadcast_in_dim3A_72, %broadcast_in_dim3A_88, %broadcast_in_dim3A_104, %broadcast_in_dim3A_120, %broadcast_in_dim3A_136, %broadcast_in_dim3A_152, %broadcast_in_dim3A_168, %broadcast_in_dim3A_184, %broadcast_in_dim3A_200, %broadcast_in_dim3A_216, %broadcast_in_dim3A_232, %broadcast_in_dim3A_248, %broadcast_in_dim3A_264, %broadcast_in_dim3A_280, %broadcast_in_dim3A_296, %broadcast_in_dim3A_312, %broadcast_in_dim3A_328, %broadcast_in_dim3A_344, %broadcast_in_dim3A_360, %broadcast_in_dim3A_376, %broadcast_in_dim3A_392, %broadcast_in_dim3A_408, %broadcast_in_dim3A_424, %broadcast_in_dim3A_440, %broadcast_in_dim3A_456, %broadcast_in_dim3A_472, %broadcast_in_dim3A_488, %broadcast_in_dim3A_504, %broadcast_in_dim3A_520, %broadcast_in_dim3A_536, %broadcast_in_dim3A_552 in 1 : vector<128x1xi32>, vector<128x1xi32>, vector<128x1xi32>, vector<128x1xi32>, vector<128x1xi32>, vector<128x1xi32>, vector<128x1xi32>, vector<128x1xi32>, vector<128x1xi32>, vector<128x1xi32>, vector<128x1xi32>, vector<128x1xi32>, vector<128x1xi32>, vector<128x1xi32>, vector<128x1xi32>, vector<128x1xi32>, vector<128x1xi32>, vector<128x1xi32>, vector<128x1xi32>, vector<128x1xi32>, vector<128x1xi32>, vector<128x1xi32>, vector<128x1xi32>, vector<128x1xi32>, vector<128x1xi32>, vector<128x1xi32>, vector<128x1xi32>, vector<128x1xi32>, vector<128x1xi32>, vector<128x1xi32>, vector<128x1xi32>, vector<128x1xi32> -> vector<128x32xi32>
    %mul3A_553 = arith.constant 8192 : i32
    %mul3A_554 = arith.muli %arg0, %mul3A_553 : i32
    %add3A_555 = vector.broadcast %mul3A_554 : i32 to vector<128x32xi32>
    %add3A_556 = arith.addi %concatenate3A, %add3A_555 : vector<128x32xi32>
    %swap3A = arith.constant 0 : index
    %swap3A_557 = arith.constant 0 : index
    %swap3A_558 = arith.constant 0 : index
    %swap3A_559 = vector.load %arg4[%swap3A, %swap3A_557, %swap3A_558] : memref<1x128x32xi32, #tpu.memory_space<vmem>>, vector<1x128x32xi32>
    %swap3A_560 = vector.shape_cast %swap3A_559 : vector<1x128x32xi32> to vector<128x32xi32>
    %swap3A_561 = vector.shape_cast %add3A_556 : vector<128x32xi32> to vector<1x128x32xi32>
    tpu.vector_store %arg4[%swap3A, %swap3A_557, %swap3A_558], %swap3A_561 {strides = array<i32>} : memref<1x128x32xi32, #tpu.memory_space<vmem>>, vector<1x128x32xi32>,
    return
  }
  func.func @transform_0(%arg0: i32, %arg1: i32) -> (i32, i32, i32) {
    %c0_i32 = arith.constant 0 : i32
    %c0_i32_0 = arith.constant 0 : i32
    %c0_i32_1 = arith.constant 0 : i32
    return %arg0, %c0_i32, %c0_i32_0 : i32, i32, i32
  }
  func.func @transform_1(%arg0: i32, %arg1: i32) -> (i32, i32, i32) {
    %c0_i32 = arith.constant 0 : i32
    %c0_i32_0 = arith.constant 0 : i32
    return %arg0, %arg1, %c0_i32 : i32, i32, i32
  }
  func.func @transform_2(%arg0: i32, %arg1: i32) -> (i32, i32, i32) {
    %c0_i32 = arith.constant 0 : i32
    %c0_i32_0 = arith.constant 0 : i32
    return %arg0, %arg1, %c0_i32 : i32, i32, i32
  }
}

</mosaic_0001>

<sc_bundles>
// kernel: kernel.6.cloned.1.call-start
scs
__scs_entry_jumppad:
0x0: {  	(pc) =	sbr.rel $0x88, $3  }
0x1: {  	(tag) =	ssettag $0x0;
	lr =	simm.s32 $0x1  }
0x2: {  	[smem:$0x3F9F] =	sst lr;
	_ =	strace $0xD0000000  }
0x3: {  	_ = 	snop  }
0x4: {  	_ = 	snop  }
0x5: {  	_ = 	snop  }
0x6: {  	_ = 	snop  }
0x7: {  	_ = 	snop  }
__scs_overlays_trampoline_lowered:
0x8: {  	[smem:$0x3FAE] =	sst s0  }
0x9: {  	[smem:$0x3FAF] =	sst s1  }
0xa: {  	[smem:$0x3FB0] =	sst s2  }
0xb: {  	[smem:$0x3FB1] =	sst s3  }
0xc: {  	[smem:$0x3FB2] =	sst s4  }
0xd: {  	[smem:$0x3FB3] =	sst s5  }
0xe: {  	[smem:$0x3FB4] =	sst s6  }
0xf: {  	[smem:$0x3FB5] =	sst s7  }
0x10: {  	[smem:$0x3FB6] =	sst s8  }
0x11: {  	[smem:$0x3FB7] =	sst s9;
	s0 =	simm.s32 @!p0 $0x0  }
0x12: {  	s1 =	sld [smem:$0x3F9D];
	s0 =	simm.s32 @p0 $0x1  }
0x13: {  	[smem:$0x3FB8] =	sst s0;
	s0 =	simm.s32 @!p1 $0x0  }
0x14: {  	s2 =	sld [smem:$0x3F9C];
	s0 =	simm.s32 @p1 $0x1  }
0x15: {  	[smem:$0x3FB9] =	sst s0;
	s0 =	simm.s32 @!p2 $0x0  }
0x16: {  	s3 =	sld [smem:$0x3FDB];
	s0 =	simm.s32 @p2 $0x1  }
0x17: {  	s4 =	simm.s32 $0x1BF5;
	[smem:$0x3FBB] =	sst s0  }
0x18: {  	s0 =	sld [smem:$0x3F9E];
	_ =	swait.ge [sflag:s4], $0x0  }
0x19: {  	s7 =	sld [smem:$0x3F9F]  }
0x1a: {  	s8 =	sadd.s32 $0xFFFFE003, lr  }
0x1b: {  	s9 =	sadd.s32 $0xFFFFFEF7, lr;
	s5 =	simm.s32 $0xFFFFFFFF;
	p2 =	slt.u32 s8, $0xFFFFF086  }
0x1c: {  	p1 =	slt.u32 s9, $0xF7A;
	s5 =	simm.s32 @!p2 $0x0  }
0x1d: {  	s5 =	simm.s32 @p1 $0x1;
	p0 =	seq.s32 s7, s2  }
0x1e: {  	s7 =	smul.u32 @!p0 $0xF7A, s2;
	p2 =	seq.s32 @!p0 s5, $0x0  }
0x1f: {  	s9 =	smul.u32 $0xF7A, s1;
	s8 =	simm.s32 @!p0 $0x1BF5;
	p2 =	por !p2, p0  }
0x20: {  	[sflag:s8] =	ssyncset.s32 @!p0 $0xFFFFF086;
	s6 =	sadd.s32 @!p0 s3, s7;
	s7 =	simm.s32 @!p0 $0x108  }
0x21: {  	s3 =	sadd.s32 s3, s9;
	s6 =	sadd.s32 @!p0 $0x88, s6;
	s7 =	simm.s32 @p2 $0x1082  }
0x22: {  	[simem:s7], [sflag:s8] =	dma.local @!p0 [hbm:s6], $0xF7A  }
0x23: {  	s9 =	sor.u32 $0xD0000000, s2;
	s6 =	simm.s32 $0x108;
	_ =	swait.ge @!p0 [sflag:s8], $0x0  }
0x24: {  	s3 =	sadd.s32 $0x88, s3;
	s6 =	simm.s32 @!p1 $0x1082;
	[sflag:s4] =	ssyncset.s32 $0xFFFFF086  }
0x25: {  	[simem:s6], [sflag:s4] =	dma.local [hbm:s3], $0xF7A  }
0x26: {  	[smem:$0x3F9F] =	sst s1;
	(tag) =	ssettag s2;
	_ =	strace s9  }
0x27: {  	s1 =	sld [smem:$0x3FAF]  }
0x28: {  	s2 =	sld [smem:$0x3FB0]  }
0x29: {  	s4 =	sld [smem:$0x3FB2]  }
0x2a: {  	p0 =	seq.s32 s5, $0x0;
	s5 =	sld [smem:$0x3FB3]  }
0x2b: {  	s6 =	sld [smem:$0x3FB4]  }
0x2c: {  	s7 =	sld [smem:$0x3FB5]  }
0x2d: {  	s3 =	simm.s32 $0x108;
	s8 =	sld [smem:$0x3FB6]  }
0x2e: {  	s3 =	simm.s32 @!p0 $0x1082;
	s9 =	sld [smem:$0x3FB7]  }
0x2f: {  	lr =	sadd.s32 s0, s3;
	s0 =	sld [smem:$0x3FAE]  }
0x30: {  	s3 =	sld [smem:$0x3FB1]  }
0x31: {  	[smem:$0x3FBA] =	sst s10  }
0x32: {  	s10 =	sld [smem:$0x3FB8];
	_ =	sdelay $0x3  }
0x33: {  	p0 =	seq.s32 s10, $0x1;
	s10 =	sld [smem:$0x3FBA];
	_ =	sdelay $0x3  }
0x34: {  	[smem:$0x3FBA] =	sst s10  }
0x35: {  	s10 =	sld [smem:$0x3FB9];
	_ =	sdelay $0x3  }
0x36: {  	p1 =	seq.s32 s10, $0x1;
	s10 =	sld [smem:$0x3FBA];
	_ =	sdelay $0x3  }
0x37: {  	[smem:$0x3FBA] =	sst s10  }
0x38: {  	s10 =	sld [smem:$0x3FBB]  }
0x39: {  	_ = 	snop;
	(pc) =	sbr.ind lr, $3  }
0x3a: {  	_ = 	snop  }
0x3b: {  	_ = 	snop  }
0x3c: {  	p2 =	seq.s32 s10, $0x1;
	s10 =	sld [smem:$0x3FBA]  }
0x3d: {  	_ =	shalt  }
0x3e: {  	_ =	shalt  }
0x3f: {  	_ =	shalt  }
0x40: {  	_ =	shalt  }
0x41: {  	_ =	shalt  }
0x42: {  	_ =	shalt  }
0x43: {  	_ =	shalt  }
0x44: {  	_ =	shalt  }
0x45: {  	_ =	shalt  }
0x46: {  	_ =	shalt  }
0x47: {  	_ =	shalt  }
0x48: {  	_ =	shalt  }
0x49: {  	_ =	shalt  }
0x4a: {  	_ =	shalt  }
0x4b: {  	_ =	shalt  }
0x4c: {  	_ =	shalt  }
0x4d: {  	_ =	shalt  }
0x4e: {  	_ =	shalt  }
0x4f: {  	_ =	shalt  }
0x50: {  	_ =	shalt  }
0x51: {  	_ =	shalt  }
0x52: {  	_ =	shalt  }
0x53: {  	_ =	shalt  }
0x54: {  	_ =	shalt  }
0x55: {  	_ =	shalt  }
0x56: {  	_ =	shalt  }
0x57: {  	_ =	shalt  }
0x58: {  	_ =	shalt  }
0x59: {  	_ =	shalt  }
0x5a: {  	_ =	shalt  }
0x5b: {  	_ =	shalt  }
0x5c: {  	_ =	shalt  }
0x5d: {  	_ =	shalt  }
0x5e: {  	_ =	shalt  }
0x5f: {  	_ =	shalt  }
0x60: {  	_ =	shalt  }
0x61: {  	_ =	shalt  }
0x62: {  	_ =	shalt  }
0x63: {  	_ =	shalt  }
0x64: {  	_ =	shalt  }
0x65: {  	_ =	shalt  }
0x66: {  	_ =	shalt  }
0x67: {  	_ =	shalt  }
0x68: {  	_ =	shalt  }
0x69: {  	_ =	shalt  }
0x6a: {  	_ =	shalt  }
0x6b: {  	_ =	shalt  }
0x6c: {  	_ =	shalt  }
0x6d: {  	_ =	shalt  }
0x6e: {  	_ =	shalt  }
0x6f: {  	_ =	shalt  }
0x70: {  	_ =	shalt  }
0x71: {  	_ =	shalt  }
0x72: {  	_ =	shalt  }
0x73: {  	_ =	shalt  }
0x74: {  	_ =	shalt  }
0x75: {  	_ =	shalt  }
0x76: {  	_ =	shalt  }
0x77: {  	_ =	shalt  }
0x78: {  	_ =	shalt  }
0x79: {  	_ =	shalt  }
0x7a: {  	_ =	shalt  }
0x7b: {  	_ =	shalt  }
0x7c: {  	_ =	shalt  }
0x7d: {  	_ =	shalt  }
0x7e: {  	_ =	shalt  }
0x7f: {  	_ =	shalt  }
0x80: {  	_ =	shalt  }
0x81: {  	_ =	shalt  }
0x82: {  	_ =	shalt  }
0x83: {  	_ =	shalt  }
0x84: {  	_ =	shalt  }
0x85: {  	_ =	shalt  }
0x86: {  	_ =	shalt  }
0x87: {  	_ =	shalt  }
.Lfunc_end0:
.L_simem_size_0:
called_computation_lowered:
.L_overlay_start_0:
0x88: {  	s2 =	sld [smem:$0x3FD9]  }
0x89: {  	s3 =	sld [smem:$0x3FFE];
	_ =	sdelay $0x1  }
0x8a: {  	s1 =	srdreg.scid  }
0x8b: {  	s0 =	sand.u32 $0x1, s1  }
0x8c: {  	s15 =	sshll.u32 s0, $0xA;
	s2 =	sadd.s32 s3, s2  }
0x8d: {  	s2 =	sadd.s32 s2, s15  }
0x8e: {  	[smem:$0x3FC6] =	sst s2  }
0x8f: {  	_ = 	snop  }
0x90: {  	s16 =	sld [smem:$0x3FD0];
	_ =	sdelay $0x2  }
0x91: {  	s4 =	simm.s32 $0xB;
	s5 =	simm.s32 $0x10;
	s2 =	sld [smem:$0x3FC8]  }
0x92: {  	[smem:s5], [sflag:s4] =	dma.local [hbm:s16], $0x1  }
0x93: {  	_ =	swait.eq [sflag:s4], $0x1  }
0x94: {  	[sflag:s4] =	ssyncset.done $0x0  }
0x95: {  	[sflag:s4] =	ssyncadd.s32 $0xFFFFFFFF  }
0x96: {  	s17 =	sld [smem:$0x12];
	(tm) =	ssettm $0x1  }
0x97: {  	s18 =	sld [smem:$0x3FFB];
	_ =	sdelay $0x3  }
0x98: {  	_ =	strace s18  }
0x99: {  	s3 =	sld [smem:$0x3FFC];
	_ =	sdelay $0x3  }
0x9a: {  	_ =	strace s3  }
0x9b: {  	s3 =	sld [smem:$0x3FFD];
	_ =	sdelay $0x3  }
0x9c: {  	_ =	strace s3  }
0x9d: {  	_ =	strace $0x8FFFFFFF  }
0x9e: {  	s19 =	sld [smem:$0x3FDB];
	_ =	sdelay $0x1  }
0x9f: {  	s20 =	simm.s32 $_scs_section_size  }
0xa0: {  	s6 =	simm.s32 $_size__tile_overlayer_lowered;
	s7 =	simm.s32 $_tile_overlayer_lowered  }
0xa1: {  	s8 =	simm.s32 $0x1BFF;
	s21 =	sshll.u32 s7, $0x1;
	s5 =	sadd.s32 s20, s19  }
0xa2: {  	s22 =	simm.s32 $0x0;
	s6 =	sshll.u32 s6, $0x1;
	s7 =	sadd.s32 s21, s5  }
0xa3: {  	[timem:s22], [sflag:s8] =	dma.local [hbm:s7], s6  }
0xa4: {  	_ =	swait.ge [sflag:s8], s6  }
0xa5: {  	s6 =	ssub.s32 $0x0, s6;
	[sflag:s8] =	ssyncset.done $0x0  }
0xa6: {  	[sflag:s8] =	ssyncadd.s32 s6;
	_ =	sdelay $0x1  }
0xa7: {  	s23 =	simm.s32 $0x1B8B  }
0xa8: {  	_ =	swait.ge [sflag:s23], $0x1  }
0xa9: {  	[sflag:s23] =	ssyncset.done $0x0  }
0xaa: {  	[sflag:s23] =	ssyncadd.s32 $0xFFFFFFFF  }
0xab: {  	s6 =	sld [smem:$0x0]  }
0xac: {  	s7 =	sand.u32 $0xFFFFFFFE, s1  }
0xad: {  	p0 =	sne.s32 s1, s7  }
0xae: {  	s7 =	sshll.u32 @p0 s7, $0xE  }
0xaf: {  	s7 =	sadd.s32 @p0 $0x11B8D, s7;
	s8 =	sshll.u32 @p0 s6, $0x11  }
0xb0: {  	s7 =	sor.u32 @p0 s8, s7  }
0xb1: {  	[sflag:s7] =	ssyncadd.remote.s32 @p0 $0x1;
	_ =	sdelay $0x1  }
0xb2: {  	s7 =	simm.s32 @p0 $0x1B8D  }
0xb3: {  	_ =	swait.eq @p0 [sflag:s7], $0x1  }
0xb4: {  	[sflag:s7] =	ssyncadd.s32 @p0 $0xFFFFFFFF  }
0xb5: {  	s8 =	sshll.u32 @!p0 s1, $0xE  }
0xb6: {  	s8 =	sor.u32 @!p0 $0x4000, s8;
	s7 =	simm.s32 @!p0 $0x1B8D  }
0xb7: {  	s6 =	sshll.u32 @!p0 s6, $0x11;
	s8 =	sadd.s32 @!p0 $0x11B8D, s8;
	_ =	swait.eq @!p0 [sflag:s7], $0x1  }
0xb8: {  	s6 =	sor.u32 @!p0 s6, s8;
	[sflag:s7] =	ssyncadd.s32 @!p0 $0xFFFFFFFF  }
0xb9: {  	s25 =	simm.s32 $0x1B8E;
	s24 =	sld [smem:$0x3FFE];
	[sflag:s6] =	ssyncadd.remote.s32 @!p0 $0x1  }
0xba: {  	s26 =	simm.s32 $execute0_lowered;
	[smem:$0x3FD2] =	sst s25  }
0xbb: {  	s7 =	sshll.u32 s26, $0x1;
	_ =	strace $0x80000049;
	[dreg:$0x1] =	wrdreg $0xFFFFFFFF  }
0xbc: {  	s28 =	simm.s32 $_size_execute0_lowered;
	s5 =	sadd.s32 s5, s7;
	[dreg:$0x0] =	wrdreg $0x0  }
0xbd: {  	s7 =	sshll.u32 s28, $0x1;
	[dreg:$0x2] =	wrdreg s5  }
0xbe: {  	[dreg:$0x3] =	wrdreg s7  }
0xbf: {  	[dreg:$0x4] =	wrdreg $0xC0  }
0xc0: {  	_ =	task [dreg:s22], $0x5FFFF  }
0xc1: {  	[dreg:$0x1] =	wrdreg $0xFFFFFFFF  }
0xc2: {  	[dreg:$0x0] =	wrdreg $0x60  }
0xc3: {  	[dreg:$0x2] =	wrdreg s24  }
0xc4: {  	[dreg:$0x3] =	wrdreg s2  }
0xc5: {  	[dreg:$0x4] =	wrdreg s17  }
0xc6: {  	[dreg:$0x5] =	wrdreg $0x9  }
0xc7: {  	_ =	task.clear_ibuf [dreg:s22], $0x6FFFF;
	_ =	strace $0x90000049  }
0xc8: {  	s29 =	simm.s32 $0x9;
	_ =	strace $0x8000004B  }
0xc9: {  	_ =	swait.ge [sflag:s29], $0x1  }
0xca: {  	[sflag:s29] =	ssyncadd.s32 $0xFFFFFFFF  }
0xcb: {  	_ =	strace $0x9000004B  }
0xcc: {  	_ =	sfence  }
0xcd: {  	s30 =	sld [smem:$0x0];
	_ =	sdelay $0x2  }
0xce: {  	s31 =	sshll.u32 s1, $0xD;
	s1 =	sshrl.u32 s1, $0x2  }
0xcf: {  	s4 =	sand.u32 $0x4000, s31;
	s1 =	sadd.s32 s1, s30  }
0xd0: {  	s0 =	sor.u32 s4, s0;
	s1 =	sshll.u32 s1, $0x11  }
0xd1: {  	s0 =	sor.u32 s1, s0  }
0xd2: {  	s0 =	sadd.s32 $0x8F2B, s0  }
0xd3: {  	[sflag:s0] =	ssyncadd.remote.s32 $0x1  }
0xd4: {  	_ =	sfence.sel $0xFFFF  }
0xd5: {  	[dreg:$0x0] =	wrdreg $0xFFFFFFFF;
	(pc) =	sbr.abs _section_cstart, $3  }
0xd6: {  	[dreg:$0x1] =	wrdreg $0xFFFFFFFF  }
0xd7: {  	_ =	task.clear_ibuf [dreg:s22], $0x2FFFF;
	_ =	strace $0x9FFFFFFF  }
0xd8: {  	(tm) =	ssettm $0x7FFFFFFF  }
0xd9: {  	_ =	shalt  }
tec
execute0_lowered:
.L_overlay_start_1:
0x0: {  	(tag) =	ssettag $0x1  }
0x1: {  	s5 =	rddreg [dreg:$0x0]  }
0x2: {  	s2 =	rddreg [dreg:$0x1]  }
0x3: {  	s3 =	rddreg [dreg:$0x2];
	s4 =	srdreg.scid  }
0x4: {  	s0 =	rddreg [dreg:$0x3];
	s1 =	stileid.u32  }
0x5: {  	s12 =	simm.s32 $0x1;
	s13 =	simm.s32 $0x4080;
	s14 =	simm.s32 $0x0  }
0x6: {  	s6 =	sand.u32 $0x1, s4;
	s4 =	simm.s32 $0x0;
	s7 =	sshll.u32 s1, $0xC  }
0x7: {  	s30 =	sshll.u32 s1, $0x10;
	s9 =	smul.u32 $0x600, s1;
	s8 =	sshll.u32 s6, $0xB  }
0x8: {  	[smem:$0x7FF] =	sst s4;
	s10 =	ssub.s32 $0x2, s6;
	s11 =	sshll.u32 s6, $0xF  }
0x9: {  	s6 =	smul.u32 $0x300, s6;
	s7 =	sor.u32 s8, s7;
	_ =	strace $0x8000004A  }
0xa: {  	s8 =	sadd.s32 s30, s5;
	s9 =	sadd.s32 s9, s5;
	s31 =	sshrl.u32 s10, $0x1  }
0xb: {  	s7 =	sshrl.u32 s7, $0x3;
	s8 =	sadd.s32 s11, s8;
	s10 =	ssub.s32 s10, s31  }
0xc: {  	s9 =	sadd.s32 s6, s9;
	s11 =	simm.s32 $0x80;
	s7 =	sadd.s32 s7, s5  }
0xd: {  	s5 =	sadd.s32 $0x116400, s8;
	s6 =	smax.u32 s10, $0x1;
	s8 =	sadd.s32 $0x110400, s9  }
0xe: {  	s9 =	sadd.s32 $0x10A400, s9;
	s10 =	simm.s32 $0x2;
	s7 =	sadd.s32 $0x108400, s7  }
.LBB2_1:
0xf: {  	s15 =	sadd.s32 $0x0, s7  }
0x10: {  	[tilespmem:s4], [sflag:$0x2] =	stream.linear.gather [hbm4b:s15+s4], $0x80, $0x38;
	[tilespmem:$0x4100] =	vst v63  }
0x11: {  	_ =	swait.ge [sflag:s10], $0x80  }
0x12: {  	[sflag:s10] =	ssyncset.done $0x0  }
0x13: {  	[sflag:s10] =	ssyncadd.s32 $0xFFFFFF80  }
0x14: {  	[tilespmem:s11], [sflag:$0x1] =	stream.indirect.gather [hbm4b:s2+s11], $0x80, s4, s11, $0xb8;
	[tilespmem:$0x4100] =	vst v63  }
0x15: {  	_ =	swait.ge [sflag:s12], $0x4000  }
0x16: {  	[sflag:s12] =	ssyncset.done $0x0  }
0x17: {  	[sflag:s12] =	ssyncadd.s32 $0xFFFFC000  }
0x18: {  	[hbm4b:s5+s4] =	stream.linear.scatter [tilespmem:s11], [sflag:$0x2], $0x4000, $0x38;
	[tilespmem:$0x4100] =	vst v63  }
0x19: {  	s18 =	sadd.s32 $0x10, s7;
	_ =	swait.ge [sflag:s10], $0x4000  }
0x1a: {  	s17 =	simm.s32 $0x20;
	s16 =	sadd.s32 $0x800, s5;
	[sflag:s10] =	ssyncset.done $0x0  }
.LBB2_2:
0x1b: {  	s19 =	sadd.s32 s17, s7;
	s15 =	simm.s32 $0x0;
	[sflag:s10] =	ssyncadd.s32 $0xFFFFC000  }
0x1c: {  	[tilespmem:s15], [sflag:$0x2] =	stream.linear.gather [hbm4b:s18+s15], $0x80, $0x38;
	[tilespmem:$0x4100] =	vst v63  }
0x1d: {  	p0 =	sne.s32 s17, $0xF0;
	s17 =	sadd.s32 $0x10, s17;
	_ =	swait.ge [sflag:s10], $0x80  }
0x1e: {  	s18 =	smov.u32 s19;
	[sflag:s10] =	ssyncset.done $0x0  }
0x1f: {  	[sflag:s10] =	ssyncadd.s32 $0xFFFFFF80  }
0x20: {  	[tilespmem:s11], [sflag:$0x1] =	stream.indirect.gather [hbm4b:s2+s11], $0x80, s15, s11, $0xb8;
	[tilespmem:$0x4100] =	vst v63  }
0x21: {  	_ =	swait.ge [sflag:s12], $0x4000  }
.Ltmp0:
0x22: {  	[sflag:s12] =	ssyncset.done $0x0;
	(pc) =	sbr.rel @p0 .LBB2_2-.Ltmp0, $4  }
0x23: {  	[sflag:s12] =	ssyncadd.s32 $0xFFFFC000  }
0x24: {  	[hbm4b:s16+s15] =	stream.linear.scatter [tilespmem:s11], [sflag:$0x2], $0x4000, $0x38;
	[tilespmem:$0x4100] =	vst v63  }
0x25: {  	_ =	swait.ge [sflag:s10], $0x4000  }
0x26: {  	s16 =	sadd.s32 $0x800, s16;
	[sflag:s10] =	ssyncset.done $0x0  }
0x27: {  	[sflag:s10] =	ssyncadd.s32 $0xFFFFC000  }
0x28: {  	[tilespmem:s15], [sflag:$0x2] =	stream.linear.gather [hbm4b:s18+s15], $0x80, $0x38;
	[tilespmem:$0x4100] =	vst v63  }
0x29: {  	_ =	swait.ge [sflag:s10], $0x80  }
0x2a: {  	[sflag:s10] =	ssyncset.done $0x0  }
0x2b: {  	[sflag:s10] =	ssyncadd.s32 $0xFFFFFF80  }
0x2c: {  	[tilespmem:s11], [sflag:$0x1] =	stream.indirect.gather [hbm4b:s2+s11], $0x80, s15, s11, $0xb8;
	[tilespmem:$0x4100] =	vst v63  }
0x2d: {  	_ =	swait.ge [sflag:s12], $0x4000  }
0x2e: {  	p1 =	por $0x1, $0x1;
	[sflag:s12] =	ssyncset.done $0x0  }
.Ltmp1:
0x2f: {  	[sflag:s12] =	ssyncadd.s32 $0xFFFFC000;
	(pc) =	sbr.rel @!p1 .LBB2_8-.Ltmp1, $4  }
0x30: {  	[hbm4b:s16+s15] =	stream.linear.scatter [tilespmem:s11], [sflag:$0x2], $0x4000, $0x38;
	[tilespmem:$0x4100] =	vst v63  }
0x31: {  	_ =	swait.ge [sflag:s10], $0x4000  }
0x32: {  	[sflag:s10] =	ssyncset.done $0x0  }
0x33: {  	p0 =	por $0x0, $0x0;
	s16 =	simm.s32 $0x10;
	[sflag:s10] =	ssyncadd.s32 $0xFFFFC000  }
0x34: {  	s15 =	sadd.s32 $0x0, s9  }
0x35: {  	[tilespmem:s4], [sflag:$0x2] =	stream.linear.gather [hbm4b:s15+s4], $0x80, $0x38;
	[tilespmem:$0x4100] =	vst v63  }
0x36: {  	_ =	swait.ge [sflag:s10], $0x80  }
0x37: {  	[sflag:s10] =	ssyncset.done $0x0  }
0x38: {  	[sflag:s10] =	ssyncadd.s32 $0xFFFFFF80  }
0x39: {  	[tilespmem:s13], [sflag:$0x1] =	stream.indirect.gather [hbm4b:s3+s11], $0x1, s4, s11, $0xb8;
	[tilespmem:$0x4100] =	vst v63  }
0x3a: {  	p1 =	por $0x1, $0x1;
	_ =	swait.ge [sflag:s12], $0x80  }
.Ltmp2:
0x3b: {  	[sflag:s12] =	ssyncset.done $0x0;
	(pc) =	sbr.rel @!p1 .LBB2_5-.Ltmp2, $4  }
0x3c: {  	s31 =	sadd.s32 $0x0, s8;
	[sflag:s12] =	ssyncadd.s32 $0xFFFFFF80  }
0x3d: {  	[hbm4b:s31+s4] =	stream.linear.scatter [tilespmem:s13], [sflag:$0x2], $0x80, $0x38;
	[tilespmem:$0x4100] =	vst v63  }
0x3e: {  	_ =	swait.ge [sflag:s10], $0x80  }
0x3f: {  	p0 =	por $0x1, $0x1;
	s15 =	simm.s32 $0x20;
	[sflag:s10] =	ssyncset.done $0x0  }
.LBB2_6:
0x40: {  	s17 =	sadd.s32 s16, s9  }
0x41: {  	[sflag:s10] =	ssyncadd.s32 $0xFFFFFF80;
	s18 =	smov.u32 s15;
	s19 =	sadd.s32 $0x10, s15  }
0x42: {  	[tilespmem:s4], [sflag:$0x2] =	stream.linear.gather [hbm4b:s17+s4], $0x80, $0x38;
	[tilespmem:$0x4100] =	vst v63  }
0x43: {  	p1 =	sne.s32 s15, $0x2F0;
	_ =	swait.ge [sflag:s10], $0x80  }
0x44: {  	[sflag:s10] =	ssyncset.done $0x0  }
0x45: {  	[sflag:s10] =	ssyncadd.s32 $0xFFFFFF80  }
0x46: {  	[tilespmem:s13], [sflag:$0x1] =	stream.indirect.gather [hbm4b:s3+s11], $0x1, s4, s11, $0xb8;
	[tilespmem:$0x4100] =	vst v63  }
0x47: {  	_ =	swait.ge [sflag:s12], $0x80  }
.Ltmp3:
0x48: {  	[sflag:s12] =	ssyncset.done $0x0;
	(pc) =	sbr.rel @p1 .LBB2_6-.Ltmp3, $4  }
0x49: {  	s15 =	sadd.s32 s16, s8;
	s16 =	smov.u32 s18;
	[sflag:s12] =	ssyncadd.s32 $0xFFFFFF80  }
0x4a: {  	[hbm4b:s15+s4] =	stream.linear.scatter [tilespmem:s13], [sflag:$0x2], $0x80, $0x38;
	[tilespmem:$0x4100] =	vst v63  }
0x4b: {  	_ =	swait.ge [sflag:s10], $0x80  }
0x4c: {  	s15 =	smov.u32 s19;
	[sflag:s10] =	ssyncset.done $0x0  }
0x4d: {  	s15 =	smov.u32 s16  }
.LBB2_8:
0x4e: {  	s16 =	sadd.s32 s15, s9;
	[sflag:s10] =	ssyncadd.s32 @p0 $0xFFFFFF80  }
0x4f: {  	[tilespmem:s4], [sflag:$0x2] =	stream.linear.gather [hbm4b:s16+s4], $0x80, $0x38;
	[tilespmem:$0x4100] =	vst v63  }
0x50: {  	_ =	swait.ge [sflag:s10], $0x80  }
0x51: {  	[sflag:s10] =	ssyncset.done $0x0  }
0x52: {  	[sflag:s10] =	ssyncadd.s32 $0xFFFFFF80  }
0x53: {  	[tilespmem:s13], [sflag:$0x1] =	stream.indirect.gather [hbm4b:s3+s11], $0x1, s4, s11, $0xb8;
	[tilespmem:$0x4100] =	vst v63  }
0x54: {  	_ =	swait.ge [sflag:s12], $0x80  }
0x55: {  	s14 =	sadd.s32 $0x1, s14;
	[sflag:s12] =	ssyncset.done $0x0  }
0x56: {  	s31 =	sadd.s32 s15, s8;
	p0 =	sne.s32 s14, s6;
	[sflag:s12] =	ssyncadd.s32 $0xFFFFFF80  }
0x57: {  	[hbm4b:s31+s4] =	stream.linear.scatter [tilespmem:s13], [sflag:$0x2], $0x80, $0x38;
	[tilespmem:$0x4100] =	vst v63  }
.Ltmp4:
0x58: {  	_ = 	snop;
	(pc) =	sbr.rel @p0 .LBB2_1-.Ltmp4, $4  }
.Ltmp5:
0x59: {  	_ = 	snop;
	(pc) =	sbr.rel @!p0 .LBB2_9-.Ltmp5, $4  }
0x5a: {  	_ =	swait.ge [sflag:s10], $0x80  }
0x5b: {  	[sflag:s10] =	ssyncset.done $0x0  }
0x5c: {  	[sflag:s10] =	ssyncadd.s32 $0xFFFFFF80  }
0x5d: {  	_ = 	snop  }
.LBB2_5:
.Ltmp6:
0x5e: {  	(pc) =	sbr.rel .LBB2_8-.Ltmp6, $2  }
0x5f: {  	_ =	sdelay $0x2  }
0x60: {  	s15 =	simm.s32 $0x10  }
.LBB2_9:
0x61: {  	_ =	sfence.sel $0x180000  }
0x62: {  	[bflag:$0x0] =	sbarrier.arrive $0xFFFF  }
0x63: {  	p0 =	sne.s32 s1, $0x0;
	_ =	strace $0x9000004A  }
0x64: {  	s0 =	sadd.s32 @!p0 $0x100000, s0;
	[bflag:$0x2] =	sbarrier.arrive $0xFFFF  }
0x65: {  	[sflag:s0] =	ssyncadd.tile.s32 @!p0 $0x1;
	_ =	shalt  }
.Lfunc_end2:
_tile_overlayer_lowered:
.L_overlay_start_2:
0x66: {  	(tag) =	ssettag $0x2  }
0x67: {  	s0 =	rddreg [dreg:$0x0];
	s2 =	stileid.u32  }
0x68: {  	s1 =	rddreg [dreg:$0x1];
	p0 =	sne.s32 s2, $0x0  }
0x69: {  	s3 =	rddreg [dreg:$0x2];
	[bflag:$0x3] =	sbarrier.arrive $0xFFFF;
	s2 =	simm.s32 @!p0 $0x1C02  }
0x6a: {  	[timem:s3], [sflag:s2] =	dma.local @!p0 [hbm:s0], s1  }
0x6b: {  	s0 =	simm.s32 @!p0 $0x2  }
0x6c: {  	_ =	swait.ge @!p0 [sflag:s0], s1  }
0x6d: {  	s1 =	ssub.s32 @!p0 $0x0, s1;
	[sflag:s0] =	ssyncset.done @!p0 $0x0  }
0x6e: {  	[sflag:s0] =	ssyncadd.s32 @!p0 s1  }
0x6f: {  	[bflag:$0x3] =	sbarrier.arrive $0xFFFF  }
0x70: {  	_ =	shalt  }

// kernel: kernel.9.cloned.1.call-start
scs
__scs_entry_jumppad:
0x0: {  	(pc) =	sbr.rel $0x88, $3  }
0x1: {  	(tag) =	ssettag $0x0;
	lr =	simm.s32 $0x1  }
0x2: {  	[smem:$0x3F9F] =	sst lr;
	_ =	strace $0xD0000000  }
0x3: {  	_ = 	snop  }
0x4: {  	_ = 	snop  }
0x5: {  	_ = 	snop  }
0x6: {  	_ = 	snop  }
0x7: {  	_ = 	snop  }
__scs_overlays_trampoline_lowered:
0x8: {  	[smem:$0x3FAE] =	sst s0  }
0x9: {  	[smem:$0x3FAF] =	sst s1  }
0xa: {  	[smem:$0x3FB0] =	sst s2  }
0xb: {  	[smem:$0x3FB1] =	sst s3  }
0xc: {  	[smem:$0x3FB2] =	sst s4  }
0xd: {  	[smem:$0x3FB3] =	sst s5  }
0xe: {  	[smem:$0x3FB4] =	sst s6  }
0xf: {  	[smem:$0x3FB5] =	sst s7  }
0x10: {  	[smem:$0x3FB6] =	sst s8  }
0x11: {  	[smem:$0x3FB7] =	sst s9;
	s0 =	simm.s32 @!p0 $0x0  }
0x12: {  	s1 =	sld [smem:$0x3F9D];
	s0 =	simm.s32 @p0 $0x1  }
0x13: {  	[smem:$0x3FB8] =	sst s0;
	s0 =	simm.s32 @!p1 $0x0  }
0x14: {  	s2 =	sld [smem:$0x3F9C];
	s0 =	simm.s32 @p1 $0x1  }
0x15: {  	[smem:$0x3FB9] =	sst s0;
	s0 =	simm.s32 @!p2 $0x0  }
0x16: {  	s3 =	sld [smem:$0x3FDB];
	s0 =	simm.s32 @p2 $0x1  }
0x17: {  	s4 =	simm.s32 $0x1BF5;
	[smem:$0x3FBB] =	sst s0  }
0x18: {  	s0 =	sld [smem:$0x3F9E];
	_ =	swait.ge [sflag:s4], $0x0  }
0x19: {  	s7 =	sld [smem:$0x3F9F]  }
0x1a: {  	s8 =	sadd.s32 $0xFFFFE003, lr  }
0x1b: {  	s9 =	sadd.s32 $0xFFFFFEF7, lr;
	s5 =	simm.s32 $0xFFFFFFFF;
	p2 =	slt.u32 s8, $0xFFFFF086  }
0x1c: {  	p1 =	slt.u32 s9, $0xF7A;
	s5 =	simm.s32 @!p2 $0x0  }
0x1d: {  	s5 =	simm.s32 @p1 $0x1;
	p0 =	seq.s32 s7, s2  }
0x1e: {  	s7 =	smul.u32 @!p0 $0xF7A, s2;
	p2 =	seq.s32 @!p0 s5, $0x0  }
0x1f: {  	s9 =	smul.u32 $0xF7A, s1;
	s8 =	simm.s32 @!p0 $0x1BF5;
	p2 =	por !p2, p0  }
0x20: {  	[sflag:s8] =	ssyncset.s32 @!p0 $0xFFFFF086;
	s6 =	sadd.s32 @!p0 s3, s7;
	s7 =	simm.s32 @!p0 $0x108  }
0x21: {  	s3 =	sadd.s32 s3, s9;
	s6 =	sadd.s32 @!p0 $0x88, s6;
	s7 =	simm.s32 @p2 $0x1082  }
0x22: {  	[simem:s7], [sflag:s8] =	dma.local @!p0 [hbm:s6], $0xF7A  }
0x23: {  	s9 =	sor.u32 $0xD0000000, s2;
	s6 =	simm.s32 $0x108;
	_ =	swait.ge @!p0 [sflag:s8], $0x0  }
0x24: {  	s3 =	sadd.s32 $0x88, s3;
	s6 =	simm.s32 @!p1 $0x1082;
	[sflag:s4] =	ssyncset.s32 $0xFFFFF086  }
0x25: {  	[simem:s6], [sflag:s4] =	dma.local [hbm:s3], $0xF7A  }
0x26: {  	[smem:$0x3F9F] =	sst s1;
	(tag) =	ssettag s2;
	_ =	strace s9  }
0x27: {  	s1 =	sld [smem:$0x3FAF]  }
0x28: {  	s2 =	sld [smem:$0x3FB0]  }
0x29: {  	s4 =	sld [smem:$0x3FB2]  }
0x2a: {  	p0 =	seq.s32 s5, $0x0;
	s5 =	sld [smem:$0x3FB3]  }
0x2b: {  	s6 =	sld [smem:$0x3FB4]  }
0x2c: {  	s7 =	sld [smem:$0x3FB5]  }
0x2d: {  	s3 =	simm.s32 $0x108;
	s8 =	sld [smem:$0x3FB6]  }
0x2e: {  	s3 =	simm.s32 @!p0 $0x1082;
	s9 =	sld [smem:$0x3FB7]  }
0x2f: {  	lr =	sadd.s32 s0, s3;
	s0 =	sld [smem:$0x3FAE]  }
0x30: {  	s3 =	sld [smem:$0x3FB1]  }
0x31: {  	[smem:$0x3FBA] =	sst s10  }
0x32: {  	s10 =	sld [smem:$0x3FB8];
	_ =	sdelay $0x3  }
0x33: {  	p0 =	seq.s32 s10, $0x1;
	s10 =	sld [smem:$0x3FBA];
	_ =	sdelay $0x3  }
0x34: {  	[smem:$0x3FBA] =	sst s10  }
0x35: {  	s10 =	sld [smem:$0x3FB9];
	_ =	sdelay $0x3  }
0x36: {  	p1 =	seq.s32 s10, $0x1;
	s10 =	sld [smem:$0x3FBA];
	_ =	sdelay $0x3  }
0x37: {  	[smem:$0x3FBA] =	sst s10  }
0x38: {  	s10 =	sld [smem:$0x3FBB]  }
0x39: {  	_ = 	snop;
	(pc) =	sbr.ind lr, $3  }
0x3a: {  	_ = 	snop  }
0x3b: {  	_ = 	snop  }
0x3c: {  	p2 =	seq.s32 s10, $0x1;
	s10 =	sld [smem:$0x3FBA]  }
0x3d: {  	_ =	shalt  }
0x3e: {  	_ =	shalt  }
0x3f: {  	_ =	shalt  }
0x40: {  	_ =	shalt  }
0x41: {  	_ =	shalt  }
0x42: {  	_ =	shalt  }
0x43: {  	_ =	shalt  }
0x44: {  	_ =	shalt  }
0x45: {  	_ =	shalt  }
0x46: {  	_ =	shalt  }
0x47: {  	_ =	shalt  }
0x48: {  	_ =	shalt  }
0x49: {  	_ =	shalt  }
0x4a: {  	_ =	shalt  }
0x4b: {  	_ =	shalt  }
0x4c: {  	_ =	shalt  }
0x4d: {  	_ =	shalt  }
0x4e: {  	_ =	shalt  }
0x4f: {  	_ =	shalt  }
0x50: {  	_ =	shalt  }
0x51: {  	_ =	shalt  }
0x52: {  	_ =	shalt  }
0x53: {  	_ =	shalt  }
0x54: {  	_ =	shalt  }
0x55: {  	_ =	shalt  }
0x56: {  	_ =	shalt  }
0x57: {  	_ =	shalt  }
0x58: {  	_ =	shalt  }
0x59: {  	_ =	shalt  }
0x5a: {  	_ =	shalt  }
0x5b: {  	_ =	shalt  }
0x5c: {  	_ =	shalt  }
0x5d: {  	_ =	shalt  }
0x5e: {  	_ =	shalt  }
0x5f: {  	_ =	shalt  }
0x60: {  	_ =	shalt  }
0x61: {  	_ =	shalt  }
0x62: {  	_ =	shalt  }
0x63: {  	_ =	shalt  }
0x64: {  	_ =	shalt  }
0x65: {  	_ =	shalt  }
0x66: {  	_ =	shalt  }
0x67: {  	_ =	shalt  }
0x68: {  	_ =	shalt  }
0x69: {  	_ =	shalt  }
0x6a: {  	_ =	shalt  }
0x6b: {  	_ =	shalt  }
0x6c: {  	_ =	shalt  }
0x6d: {  	_ =	shalt  }
0x6e: {  	_ =	shalt  }
0x6f: {  	_ =	shalt  }
0x70: {  	_ =	shalt  }
0x71: {  	_ =	shalt  }
0x72: {  	_ =	shalt  }
0x73: {  	_ =	shalt  }
0x74: {  	_ =	shalt  }
0x75: {  	_ =	shalt  }
0x76: {  	_ =	shalt  }
0x77: {  	_ =	shalt  }
0x78: {  	_ =	shalt  }
0x79: {  	_ =	shalt  }
0x7a: {  	_ =	shalt  }
0x7b: {  	_ =	shalt  }
0x7c: {  	_ =	shalt  }
0x7d: {  	_ =	shalt  }
0x7e: {  	_ =	shalt  }
0x7f: {  	_ =	shalt  }
0x80: {  	_ =	shalt  }
0x81: {  	_ =	shalt  }
0x82: {  	_ =	shalt  }
0x83: {  	_ =	shalt  }
0x84: {  	_ =	shalt  }
0x85: {  	_ =	shalt  }
0x86: {  	_ =	shalt  }
0x87: {  	_ =	shalt  }
.Lfunc_end0:
.L_simem_size_0:
called_computation.1_lowered:
.L_overlay_start_0:
0x88: {  	s2 =	sld [smem:$0x3FD9]  }
0x89: {  	s3 =	sld [smem:$0x3FFE];
	_ =	sdelay $0x1  }
0x8a: {  	s1 =	srdreg.scid  }
0x8b: {  	s0 =	sand.u32 $0x1, s1  }
0x8c: {  	s14 =	sshll.u32 s0, $0xA;
	s2 =	sadd.s32 s3, s2  }
0x8d: {  	s2 =	sadd.s32 s2, s14  }
0x8e: {  	[smem:$0x3FC6] =	sst s2  }
0x8f: {  	_ = 	snop  }
0x90: {  	s2 =	sld [smem:$0x3FD0];
	_ =	sdelay $0x2  }
0x91: {  	s4 =	simm.s32 $0xB;
	s5 =	simm.s32 $0x10;
	s15 =	sld [smem:$0x3FC8]  }
0x92: {  	[smem:s5], [sflag:s4] =	dma.local [hbm:s2], $0x1  }
0x93: {  	_ =	swait.eq [sflag:s4], $0x1  }
0x94: {  	[sflag:s4] =	ssyncset.done $0x0  }
0x95: {  	s16 =	sld [smem:$0x10];
	[sflag:s4] =	ssyncadd.s32 $0xFFFFFFFF  }
0x96: {  	s17 =	sld [smem:$0x12];
	(tm) =	ssettm $0x1  }
0x97: {  	s18 =	sld [smem:$0x3FFB];
	_ =	sdelay $0x3  }
0x98: {  	_ =	strace s18  }
0x99: {  	s5 =	sld [smem:$0x3FFC];
	_ =	sdelay $0x3  }
0x9a: {  	_ =	strace s5  }
0x9b: {  	s5 =	sld [smem:$0x3FFD];
	_ =	sdelay $0x3  }
0x9c: {  	_ =	strace s5  }
0x9d: {  	_ =	strace $0x8FFFFFFF  }
0x9e: {  	s19 =	sld [smem:$0x3FDB];
	_ =	sdelay $0x1  }
0x9f: {  	s6 =	simm.s32 $_scs_section_size  }
0xa0: {  	s7 =	simm.s32 $_size__tile_overlayer_lowered;
	s8 =	simm.s32 $_tile_overlayer_lowered  }
0xa1: {  	s22 =	simm.s32 $0x1BFF;
	s21 =	sshll.u32 s8, $0x1;
	s5 =	sadd.s32 s6, s19  }
0xa2: {  	s9 =	simm.s32 $0x0;
	s20 =	sshll.u32 s7, $0x1;
	s7 =	sadd.s32 s21, s5  }
0xa3: {  	[timem:s9], [sflag:s22] =	dma.local [hbm:s7], s20  }
0xa4: {  	_ =	swait.ge [sflag:s22], s20  }
0xa5: {  	s6 =	ssub.s32 $0x0, s20;
	[sflag:s22] =	ssyncset.done $0x0  }
0xa6: {  	[sflag:s22] =	ssyncadd.s32 s6;
	_ =	sdelay $0x1  }
0xa7: {  	s23 =	simm.s32 $0x1B8B  }
0xa8: {  	_ =	swait.ge [sflag:s23], $0x1  }
0xa9: {  	[sflag:s23] =	ssyncset.done $0x0  }
0xaa: {  	s25 =	simm.s32 $0x1B8E;
	s24 =	sld [smem:$0x3FFE];
	[sflag:s23] =	ssyncadd.s32 $0xFFFFFFFF  }
0xab: {  	s26 =	simm.s32 $execute0_lowered;
	[smem:$0x3FD2] =	sst s25  }
0xac: {  	s7 =	sshll.u32 s26, $0x1;
	_ =	strace $0x80000046;
	[dreg:$0x1] =	wrdreg $0xFFFFFFFF  }
0xad: {  	s28 =	simm.s32 $_size_execute0_lowered;
	s5 =	sadd.s32 s5, s7;
	[dreg:$0x0] =	wrdreg $0x0  }
0xae: {  	s7 =	sshll.u32 s28, $0x1;
	[dreg:$0x2] =	wrdreg s5  }
0xaf: {  	[dreg:$0x3] =	wrdreg s7  }
0xb0: {  	[dreg:$0x4] =	wrdreg $0xC0  }
0xb1: {  	_ =	task [dreg:s9], $0x5FFFF  }
0xb2: {  	[dreg:$0x1] =	wrdreg $0xFFFFFFFF  }
0xb3: {  	[dreg:$0x0] =	wrdreg $0x60  }
0xb4: {  	[dreg:$0x2] =	wrdreg s24  }
0xb5: {  	[dreg:$0x3] =	wrdreg s16  }
0xb6: {  	[dreg:$0x4] =	wrdreg s15  }
0xb7: {  	[dreg:$0x5] =	wrdreg s17  }
0xb8: {  	[dreg:$0x6] =	wrdreg $0xA  }
0xb9: {  	_ =	task.clear_ibuf [dreg:s9], $0x7FFFF;
	_ =	strace $0x90000046  }
0xba: {  	s29 =	simm.s32 $0xA;
	_ =	strace $0x80000048  }
0xbb: {  	_ =	swait.ge [sflag:s29], $0x1  }
0xbc: {  	[sflag:s29] =	ssyncadd.s32 $0xFFFFFFFF  }
0xbd: {  	_ =	strace $0x90000048  }
0xbe: {  	_ =	sfence  }
0xbf: {  	s30 =	sld [smem:$0x0];
	_ =	sdelay $0x2  }
0xc0: {  	s31 =	sshll.u32 s1, $0xD;
	s1 =	sshrl.u32 s1, $0x2  }
0xc1: {  	s3 =	sand.u32 $0x4000, s31;
	s1 =	sadd.s32 s1, s30  }
0xc2: {  	s0 =	sor.u32 s3, s0;
	s1 =	sshll.u32 s1, $0x11  }
0xc3: {  	s0 =	sor.u32 s1, s0  }
0xc4: {  	s0 =	sadd.s32 $0x8F2B, s0  }
0xc5: {  	[sflag:s0] =	ssyncadd.remote.s32 $0x1  }
0xc6: {  	_ =	sfence.sel $0xFFFF  }
0xc7: {  	[dreg:$0x0] =	wrdreg $0xFFFFFFFF;
	(pc) =	sbr.abs _section_cstart, $3  }
0xc8: {  	[dreg:$0x1] =	wrdreg $0xFFFFFFFF  }
0xc9: {  	_ =	task.clear_ibuf [dreg:s9], $0x2FFFF;
	_ =	strace $0x9FFFFFFF  }
0xca: {  	(tm) =	ssettm $0x7FFFFFFF  }
0xcb: {  	_ =	shalt  }
tec
execute0_lowered:
.L_overlay_start_1:
0x0: {  	(tag) =	ssettag $0x1  }
0x1: {  	s5 =	rddreg [dreg:$0x0]  }
0x2: {  	s9 =	rddreg [dreg:$0x1]  }
0x3: {  	s1 =	srdreg.scid;
	s2 =	rddreg [dreg:$0x2]  }
0x4: {  	s0 =	stileid.u32;
	s3 =	rddreg [dreg:$0x3]  }
0x5: {  	s4 =	simm.s32 $0x0;
	s6 =	sand.u32 $0x1, s1;
	s1 =	rddreg [dreg:$0x4]  }
0x6: {  	s7 =	sshll.u32 s0, $0xC;
	[smem:$0x7FF] =	sst s4  }
0x7: {  	s28 =	sshll.u32 s0, $0x10;
	s10 =	smul.u32 $0x600, s0;
	s8 =	sshll.u32 s6, $0xB  }
0x8: {  	_ =	strace $0x80000047;
	s11 =	ssub.s32 $0x2, s6;
	s13 =	sshll.u32 s6, $0xF  }
0x9: {  	s14 =	smul.u32 $0x300, s6;
	s7 =	sor.u32 s8, s7;
	s8 =	sadd.s32 s28, s5  }
0xa: {  	s12 =	sshrl.u32 s11, $0x1;
	s15 =	sadd.s32 s10, s5;
	s9 =	sadd.s32 s10, s9  }
0xb: {  	s10 =	simm.s32 $0x2;
	s7 =	sshrl.u32 s7, $0x3;
	s29 =	ssub.s32 s11, s12  }
0xc: {  	s30 =	sadd.s32 s13, s8;
	s31 =	sadd.s32 s14, s15;
	s9 =	sadd.s32 s14, s9  }
0xd: {  	s11 =	simm.s32 $0x80;
	s12 =	simm.s32 $0x1;
	s13 =	simm.s32 $0x4080  }
0xe: {  	s14 =	simm.s32 $0x0;
	s7 =	sadd.s32 s7, s5;
	s5 =	smax.u32 s29, $0x1  }
0xf: {  	s6 =	sadd.s32 $0x8400, s30;
	s8 =	sadd.s32 $0x2400, s31;
	s7 =	sadd.s32 $0x400, s7  }
.LBB2_1:
0x10: {  	s15 =	sadd.s32 $0x0, s7  }
0x11: {  	[tilespmem:s4], [sflag:$0x2] =	stream.linear.gather [hbm4b:s15+s4], $0x80, $0x38;
	[tilespmem:$0x4100] =	vst v63  }
0x12: {  	_ =	swait.ge [sflag:s10], $0x80  }
0x13: {  	[sflag:s10] =	ssyncset.done $0x0  }
0x14: {  	[sflag:s10] =	ssyncadd.s32 $0xFFFFFF80  }
0x15: {  	[tilespmem:s11], [sflag:$0x1] =	stream.indirect.gather [hbm4b:s2+s11], $0x80, s4, s11, $0xb8;
	[tilespmem:$0x4100] =	vst v63  }
0x16: {  	_ =	swait.ge [sflag:s12], $0x4000  }
0x17: {  	[sflag:s12] =	ssyncset.done $0x0  }
0x18: {  	[sflag:s12] =	ssyncadd.s32 $0xFFFFC000  }
0x19: {  	[hbm4b:s6+s4] =	stream.linear.scatter [tilespmem:s11], [sflag:$0x2], $0x4000, $0x38;
	[tilespmem:$0x4100] =	vst v63  }
0x1a: {  	s18 =	sadd.s32 $0x10, s7;
	_ =	swait.ge [sflag:s10], $0x4000  }
0x1b: {  	s17 =	simm.s32 $0x20;
	s16 =	sadd.s32 $0x800, s6;
	[sflag:s10] =	ssyncset.done $0x0  }
.LBB2_2:
0x1c: {  	s19 =	sadd.s32 s17, s7;
	s15 =	simm.s32 $0x0;
	[sflag:s10] =	ssyncadd.s32 $0xFFFFC000  }
0x1d: {  	[tilespmem:s15], [sflag:$0x2] =	stream.linear.gather [hbm4b:s18+s15], $0x80, $0x38;
	[tilespmem:$0x4100] =	vst v63  }
0x1e: {  	p0 =	sne.s32 s17, $0xF0;
	s17 =	sadd.s32 $0x10, s17;
	_ =	swait.ge [sflag:s10], $0x80  }
0x1f: {  	s18 =	smov.u32 s19;
	[sflag:s10] =	ssyncset.done $0x0  }
0x20: {  	[sflag:s10] =	ssyncadd.s32 $0xFFFFFF80  }
0x21: {  	[tilespmem:s11], [sflag:$0x1] =	stream.indirect.gather [hbm4b:s2+s11], $0x80, s15, s11, $0xb8;
	[tilespmem:$0x4100] =	vst v63  }
0x22: {  	_ =	swait.ge [sflag:s12], $0x4000  }
.Ltmp0:
0x23: {  	[sflag:s12] =	ssyncset.done $0x0;
	(pc) =	sbr.rel @p0 .LBB2_2-.Ltmp0, $4  }
0x24: {  	[sflag:s12] =	ssyncadd.s32 $0xFFFFC000  }
0x25: {  	[hbm4b:s16+s15] =	stream.linear.scatter [tilespmem:s11], [sflag:$0x2], $0x4000, $0x38;
	[tilespmem:$0x4100] =	vst v63  }
0x26: {  	_ =	swait.ge [sflag:s10], $0x4000  }
0x27: {  	s16 =	sadd.s32 $0x800, s16;
	[sflag:s10] =	ssyncset.done $0x0  }
0x28: {  	[sflag:s10] =	ssyncadd.s32 $0xFFFFC000  }
0x29: {  	[tilespmem:s15], [sflag:$0x2] =	stream.linear.gather [hbm4b:s18+s15], $0x80, $0x38;
	[tilespmem:$0x4100] =	vst v63  }
0x2a: {  	_ =	swait.ge [sflag:s10], $0x80  }
0x2b: {  	[sflag:s10] =	ssyncset.done $0x0  }
0x2c: {  	[sflag:s10] =	ssyncadd.s32 $0xFFFFFF80  }
0x2d: {  	[tilespmem:s11], [sflag:$0x1] =	stream.indirect.gather [hbm4b:s2+s11], $0x80, s15, s11, $0xb8;
	[tilespmem:$0x4100] =	vst v63  }
0x2e: {  	_ =	swait.ge [sflag:s12], $0x4000  }
0x2f: {  	p1 =	por $0x1, $0x1;
	[sflag:s12] =	ssyncset.done $0x0  }
.Ltmp1:
0x30: {  	[sflag:s12] =	ssyncadd.s32 $0xFFFFC000;
	(pc) =	sbr.rel @!p1 .LBB2_8-.Ltmp1, $4  }
0x31: {  	[hbm4b:s16+s15] =	stream.linear.scatter [tilespmem:s11], [sflag:$0x2], $0x4000, $0x38;
	[tilespmem:$0x4100] =	vst v63  }
0x32: {  	_ =	swait.ge [sflag:s10], $0x4000  }
0x33: {  	[sflag:s10] =	ssyncset.done $0x0  }
0x34: {  	p0 =	por $0x0, $0x0;
	s16 =	simm.s32 $0x10;
	[sflag:s10] =	ssyncadd.s32 $0xFFFFC000  }
0x35: {  	s15 =	sadd.s32 $0x0, s9  }
0x36: {  	[tilespmem:s4], [sflag:$0x2] =	stream.linear.gather [hbm4b:s15+s4], $0x80, $0x38;
	[tilespmem:$0x4100] =	vst v63  }
0x37: {  	_ =	swait.ge [sflag:s10], $0x80  }
0x38: {  	[sflag:s10] =	ssyncset.done $0x0  }
0x39: {  	[sflag:s10] =	ssyncadd.s32 $0xFFFFFF80  }
0x3a: {  	[tilespmem:s13], [sflag:$0x1] =	stream.indirect.gather [hbm4b:s3+s11], $0x1, s4, s11, $0xb8;
	[tilespmem:$0x4100] =	vst v63  }
0x3b: {  	p1 =	por $0x1, $0x1;
	_ =	swait.ge [sflag:s12], $0x80  }
.Ltmp2:
0x3c: {  	[sflag:s12] =	ssyncset.done $0x0;
	(pc) =	sbr.rel @!p1 .LBB2_5-.Ltmp2, $4  }
0x3d: {  	s31 =	sadd.s32 $0x0, s8;
	[sflag:s12] =	ssyncadd.s32 $0xFFFFFF80  }
0x3e: {  	[hbm4b:s31+s4] =	stream.linear.scatter [tilespmem:s13], [sflag:$0x2], $0x80, $0x38;
	[tilespmem:$0x4100] =	vst v63  }
0x3f: {  	_ =	swait.ge [sflag:s10], $0x80  }
0x40: {  	p0 =	por $0x1, $0x1;
	s15 =	simm.s32 $0x20;
	[sflag:s10] =	ssyncset.done $0x0  }
.LBB2_6:
0x41: {  	s17 =	sadd.s32 s16, s9  }
0x42: {  	[sflag:s10] =	ssyncadd.s32 $0xFFFFFF80;
	s18 =	smov.u32 s15;
	s19 =	sadd.s32 $0x10, s15  }
0x43: {  	[tilespmem:s4], [sflag:$0x2] =	stream.linear.gather [hbm4b:s17+s4], $0x80, $0x38;
	[tilespmem:$0x4100] =	vst v63  }
0x44: {  	p1 =	sne.s32 s15, $0x2F0;
	_ =	swait.ge [sflag:s10], $0x80  }
0x45: {  	[sflag:s10] =	ssyncset.done $0x0  }
0x46: {  	[sflag:s10] =	ssyncadd.s32 $0xFFFFFF80  }
0x47: {  	[tilespmem:s13], [sflag:$0x1] =	stream.indirect.gather [hbm4b:s3+s11], $0x1, s4, s11, $0xb8;
	[tilespmem:$0x4100] =	vst v63  }
0x48: {  	_ =	swait.ge [sflag:s12], $0x80  }
.Ltmp3:
0x49: {  	[sflag:s12] =	ssyncset.done $0x0;
	(pc) =	sbr.rel @p1 .LBB2_6-.Ltmp3, $4  }
0x4a: {  	s15 =	sadd.s32 s16, s8;
	s16 =	smov.u32 s18;
	[sflag:s12] =	ssyncadd.s32 $0xFFFFFF80  }
0x4b: {  	[hbm4b:s15+s4] =	stream.linear.scatter [tilespmem:s13], [sflag:$0x2], $0x80, $0x38;
	[tilespmem:$0x4100] =	vst v63  }
0x4c: {  	_ =	swait.ge [sflag:s10], $0x80  }
0x4d: {  	s15 =	smov.u32 s19;
	[sflag:s10] =	ssyncset.done $0x0  }
0x4e: {  	s15 =	smov.u32 s16  }
.LBB2_8:
0x4f: {  	s16 =	sadd.s32 s15, s9;
	[sflag:s10] =	ssyncadd.s32 @p0 $0xFFFFFF80  }
0x50: {  	[tilespmem:s4], [sflag:$0x2] =	stream.linear.gather [hbm4b:s16+s4], $0x80, $0x38;
	[tilespmem:$0x4100] =	vst v63  }
0x51: {  	_ =	swait.ge [sflag:s10], $0x80  }
0x52: {  	[sflag:s10] =	ssyncset.done $0x0  }
0x53: {  	[sflag:s10] =	ssyncadd.s32 $0xFFFFFF80  }
0x54: {  	[tilespmem:s13], [sflag:$0x1] =	stream.indirect.gather [hbm4b:s3+s11], $0x1, s4, s11, $0xb8;
	[tilespmem:$0x4100] =	vst v63  }
0x55: {  	_ =	swait.ge [sflag:s12], $0x80  }
0x56: {  	s14 =	sadd.s32 $0x1, s14;
	[sflag:s12] =	ssyncset.done $0x0  }
0x57: {  	s31 =	sadd.s32 s15, s8;
	p0 =	sne.s32 s14, s5;
	[sflag:s12] =	ssyncadd.s32 $0xFFFFFF80  }
0x58: {  	[hbm4b:s31+s4] =	stream.linear.scatter [tilespmem:s13], [sflag:$0x2], $0x80, $0x38;
	[tilespmem:$0x4100] =	vst v63  }
.Ltmp4:
0x59: {  	_ = 	snop;
	(pc) =	sbr.rel @p0 .LBB2_1-.Ltmp4, $4  }
.Ltmp5:
0x5a: {  	_ = 	snop;
	(pc) =	sbr.rel @!p0 .LBB2_9-.Ltmp5, $4  }
0x5b: {  	_ =	swait.ge [sflag:s10], $0x80  }
0x5c: {  	[sflag:s10] =	ssyncset.done $0x0  }
0x5d: {  	[sflag:s10] =	ssyncadd.s32 $0xFFFFFF80  }
0x5e: {  	_ = 	snop  }
.LBB2_5:
.Ltmp6:
0x5f: {  	(pc) =	sbr.rel .LBB2_8-.Ltmp6, $2  }
0x60: {  	_ =	sdelay $0x2  }
0x61: {  	s15 =	simm.s32 $0x10  }
.LBB2_9:
0x62: {  	_ =	sfence.sel $0x180000  }
0x63: {  	[bflag:$0x0] =	sbarrier.arrive $0xFFFF  }
0x64: {  	p0 =	sne.s32 s0, $0x0;
	_ =	strace $0x90000047  }
0x65: {  	s0 =	sadd.s32 @!p0 $0x100000, s1;
	[bflag:$0x2] =	sbarrier.arrive $0xFFFF  }
0x66: {  	[sflag:s0] =	ssyncadd.tile.s32 @!p0 $0x1;
	_ =	shalt  }
.Lfunc_end2:
_tile_overlayer_lowered:
.L_overlay_start_2:
0x67: {  	(tag) =	ssettag $0x2  }
0x68: {  	s0 =	rddreg [dreg:$0x0];
	s2 =	stileid.u32  }
0x69: {  	s1 =	rddreg [dreg:$0x1];
	p0 =	sne.s32 s2, $0x0  }
0x6a: {  	s3 =	rddreg [dreg:$0x2];
	[bflag:$0x3] =	sbarrier.arrive $0xFFFF;
	s2 =	simm.s32 @!p0 $0x1C02  }
0x6b: {  	[timem:s3], [sflag:s2] =	dma.local @!p0 [hbm:s0], s1  }
0x6c: {  	s0 =	simm.s32 @!p0 $0x2  }
0x6d: {  	_ =	swait.ge @!p0 [sflag:s0], s1  }
0x6e: {  	s1 =	ssub.s32 @!p0 $0x0, s1;
	[sflag:s0] =	ssyncset.done @!p0 $0x0  }
0x6f: {  	[sflag:s0] =	ssyncadd.s32 @!p0 s1  }
0x70: {  	[bflag:$0x3] =	sbarrier.arrive $0xFFFF  }
0x71: {  	_ =	shalt  }

</sc_bundles>
